<compile_context>
chip_gen: v7x
topology: tpu7x:2x2x1
jax: 0.10.2.dev20260603
libtpu: 0.0.44.dev20260713+nightly
codegen_flags: <defaults>
</compile_context>

<pallas_src>
import functools

import jax
import jax.numpy as jnp
from jax import lax
from jax.experimental import pallas as pl
from jax.experimental.pallas import tpu as pltpu
from jax.experimental.pallas import tpu_sc as plsc

_N = 10000
_E = 160000
_D_IN = 128
_HID = 400
_D_OUT = 4

_NC = 2
_NS = 16
_L = 128
_EPAD = 163840
_EROWS = _EPAD // _L
_ROWS_F = _EROWS // _NS
_ROWS_E = _EROWS // (_NC * _NS)
_DH = 80
_NP1 = _N + 1
_DZ = 8
_SLICE = _N // _NS

_R = 1000
_HIDP = 512


def _sc_mesh():
    return plsc.VectorSubcoreMesh(core_axis_name="c", subcore_axis_name="s")


def _agg_pipeline(t_h, idxs, idxd, acc, rs, semg, sems, nch):

    def gather(kk, b):
        pltpu.async_copy(t_h.at[idxs.at[kk]], rs[b], semg[b])

    def wait_scatter(kk, b):
        pltpu.make_async_copy(rs[b], acc.at[idxd.at[kk]], sems[b]).wait()

    gather(0, 0)
    gather(1, 1)
    nj = nch // 4

    def body(j, carry):
        for i in range(4):
            kk = 4 * j + i
            bn = (i + 2) % 4
            pltpu.make_async_copy(t_h.at[idxs.at[kk]], rs[i], semg[i]).wait()
            pltpu.async_copy(rs[i], acc.at[idxd.at[kk]], sems[i], add=True)
            if i < 2:
                @pl.when(j > 0)
                def _():
                    wait_scatter(kk - 2, bn)
                gather(kk + 2, bn)
            else:
                wait_scatter(kk - 2, bn)

                @pl.when(j < nj - 1)
                def _():
                    gather(kk + 2, bn)
        return carry

    lax.fori_loop(0, nj, body, 0)
    wait_scatter(nch - 2, 2)
    wait_scatter(nch - 1, 3)


def _agg_scratch(rows, d, dt):
    return [
        pltpu.VMEM((rows, _L), jnp.int32),
        pltpu.VMEM((rows, _L), jnp.int32),
        pltpu.VMEM((_L, d), dt),
        pltpu.VMEM((_L, d), dt),
        pltpu.VMEM((_L, d), dt),
        pltpu.VMEM((_L, d), dt),
        pltpu.VMEM_SHARED((_N, d), dt),
        pltpu.SemaphoreType.DMA,
        pltpu.SemaphoreType.DMA,
        pltpu.SemaphoreType.DMA,
        pltpu.SemaphoreType.DMA,
        pltpu.SemaphoreType.DMA,
        pltpu.SemaphoreType.DMA,
        pltpu.SemaphoreType.DMA,
        pltpu.SemaphoreType.DMA,
    ]


def _make_sc_agg_feat():
    @functools.partial(
        pl.kernel,
        out_type=jax.ShapeDtypeStruct((_NC, _N, _DH), jnp.bfloat16),
        mesh=_sc_mesh(),
        compiler_params=pltpu.CompilerParams(use_tc_tiling_on_sc=False),
        scratch_types=_agg_scratch(_ROWS_F, _DH, jnp.bfloat16),
    )
    def k(t_h, src_h, dst_h, zrow_h, acc_out, idxs, idxd,
          r0, r1, r2, r3, acc, g0, g1, g2, g3, s0, s1, s2, s3):
        c = lax.axis_index("c")
        s = lax.axis_index("s")
        pltpu.sync_copy(zrow_h, acc.at[pl.ds(s * _SLICE, _SLICE)])
        base = s * _ROWS_F
        pltpu.sync_copy(src_h.at[c, pl.ds(base, _ROWS_F)], idxs)
        pltpu.sync_copy(dst_h.at[pl.ds(base, _ROWS_F)], idxd)
        plsc.subcore_barrier()
        _agg_pipeline(t_h, idxs, idxd, acc, (r0, r1, r2, r3),
                      (g0, g1, g2, g3), (s0, s1, s2, s3), _ROWS_F)
        plsc.subcore_barrier()
        pltpu.sync_copy(acc.at[pl.ds(s * _SLICE, _SLICE)],
                        acc_out.at[c, pl.ds(s * _SLICE, _SLICE)])

    return k


def _make_sc_agg_edge():
    @functools.partial(
        pl.kernel,
        out_type=jax.ShapeDtypeStruct((_NC, _N, _DZ), jnp.float32),
        mesh=_sc_mesh(),
        compiler_params=pltpu.CompilerParams(use_tc_tiling_on_sc=False),
        scratch_types=_agg_scratch(_ROWS_E, _DZ, jnp.float32),
    )
    def k(t_h, src_h, dst_h, zrow_h, acc_out, idxs, idxd,
          r0, r1, r2, r3, acc, g0, g1, g2, g3, s0, s1, s2, s3):
        c = lax.axis_index("c")
        s = lax.axis_index("s")
        pltpu.sync_copy(zrow_h, acc.at[pl.ds(s * _SLICE, _SLICE)])
        base = c * (_EROWS // _NC) + s * _ROWS_E
        pltpu.sync_copy(src_h.at[pl.ds(base, _ROWS_E)], idxs)
        pltpu.sync_copy(dst_h.at[pl.ds(base, _ROWS_E)], idxd)
        plsc.subcore_barrier()
        _agg_pipeline(t_h, idxs, idxd, acc, (r0, r1, r2, r3),
                      (g0, g1, g2, g3), (s0, s1, s2, s3), _ROWS_E)
        plsc.subcore_barrier()
        pltpu.sync_copy(acc.at[pl.ds(s * _SLICE, _SLICE)],
                        acc_out.at[c, pl.ds(s * _SLICE, _SLICE)])

    return k


def _fuse1_body(pacc_ref, x_ref, w1_ref, b1_ref, w2_ref, z_ref, deg_ref):
    agg = jnp.concatenate(
        [pacc_ref[0], pacc_ref[1, :, 0:_D_IN - _DH]],
        axis=1).astype(jnp.float32) + x_ref[...]
    deg = pacc_ref[1, :, _D_IN - _DH:_D_IN - _DH + 1].astype(jnp.float32) + 1.0
    mean = agg / deg
    h = jnp.maximum(
        jnp.dot(mean, w1_ref[...], preferred_element_type=jnp.float32)
        + b1_ref[...], 0.0)
    z = jnp.dot(h, w2_ref[...], preferred_element_type=jnp.float32)
    z_ref[...] = z
    deg_ref[...] = jnp.broadcast_to(deg, deg_ref.shape)


def _fuse1(pacc, x, w1p, b1p, w2p):
    return pl.pallas_call(
        _fuse1_body,
        grid=(_N // _R,),
        in_specs=[
            pl.BlockSpec((2, _R, _DH), lambda i: (0, i, 0)),
            pl.BlockSpec((_R, _D_IN), lambda i: (i, 0)),
            pl.BlockSpec((_D_IN, _HIDP), lambda i: (0, 0)),
            pl.BlockSpec((1, _HIDP), lambda i: (0, 0)),
            pl.BlockSpec((_HIDP, _DZ), lambda i: (0, 0)),
        ],
        out_specs=[
            pl.BlockSpec((_R, _DZ), lambda i: (i, 0)),
            pl.BlockSpec((_R, _DZ), lambda i: (i, 0)),
        ],
        out_shape=[
            jax.ShapeDtypeStruct((_N, _DZ), jnp.float32),
            jax.ShapeDtypeStruct((_N, _DZ), jnp.float32),
        ],
    )(pacc, x, w1p, b1p, w2p)


def _fuse2_body(q_ref, z_ref, deg_ref, b2_ref, o_ref):
    ssum = q_ref[0] + q_ref[1] + z_ref[...]
    o = jnp.maximum(ssum / deg_ref[...] + b2_ref[...], 0.0)
    o_ref[...] = o[:, 0:_D_OUT]


def _fuse2(q, z, deg, b2p):
    return pl.pallas_call(
        _fuse2_body,
        grid=(_N // _R,),
        in_specs=[
            pl.BlockSpec((2, _R, _DZ), lambda i: (0, i, 0)),
            pl.BlockSpec((_R, _DZ), lambda i: (i, 0)),
            pl.BlockSpec((_R, _DZ), lambda i: (i, 0)),
            pl.BlockSpec((1, _DZ), lambda i: (0, 0)),
        ],
        out_specs=pl.BlockSpec((_R, _D_OUT), lambda i: (i, 0)),
        out_shape=jax.ShapeDtypeStruct((_N, _D_OUT), jnp.float32),
    )(q, z, deg, b2p)


@jax.jit
def kernel(x, edge_index, W1, U1, c1, b1, W2, U2, c2, b2):
    src = edge_index[0]
    dst = edge_index[1]
    pad = _EPAD - _E
    gsrc = jnp.where(src != dst, src, _N)
    gsrc_p = jnp.concatenate([gsrc, jnp.full((pad,), _N, jnp.int32)])
    dst_p = jnp.concatenate([dst, jnp.zeros((pad,), jnp.int32)])
    src2d = gsrc_p.reshape(_EROWS, _L)
    dst2d = dst_p.reshape(_EROWS, _L)
    src_stk = jnp.stack([src2d, src2d + _NP1])

    xb = x.astype(jnp.bfloat16)
    xaug = jnp.concatenate(
        [xb, jnp.ones((_N, 1), jnp.bfloat16),
         jnp.zeros((_N, 2 * _DH - _D_IN - 1), jnp.bfloat16)], axis=1)
    xaug = jnp.concatenate(
        [xaug, jnp.zeros((1, 2 * _DH), jnp.bfloat16)], axis=0)
    xstk = jnp.concatenate([xaug[:, 0:_DH], xaug[:, _DH:2 * _DH]], axis=0)

    zrow_a = jnp.zeros((_SLICE, _DH), jnp.bfloat16)
    zrow_z = jnp.zeros((_SLICE, _DZ), jnp.float32)

    w1p = jnp.pad(W1, ((0, 0), (0, _HIDP - _HID)))
    b1p = jnp.pad(b1, (0, _HIDP - _HID)).reshape(1, _HIDP)
    w2p = jnp.pad(W2, ((0, _HIDP - _HID), (0, _DZ - _D_OUT)))
    b2p = jnp.pad(b2, (0, _DZ - _D_OUT)).reshape(1, _DZ)

    pacc = _make_sc_agg_feat()(xstk, src_stk, dst2d, zrow_a)
    z, deg = _fuse1(pacc, x, w1p, b1p, w2p)
    zt = jnp.concatenate([z, jnp.zeros((1, _DZ), jnp.float32)], axis=0)
    q = _make_sc_agg_edge()(zt, src2d, dst2d, zrow_z)
    return _fuse2(q, z, deg, b2p)

# --- scband reference (transcript-rebuilt; emitter-appended) ---
"""Pipeline reference for scband-l2-fea-st-conv-84859963834436 (READ-ONLY COPY).

The authoritative reference and input builder live on the scoring server;
editing this copy changes nothing except your own understanding.
"""

import jax, jax.numpy as jnp
import numpy as np

N = 10000
E = 160000
D_IN = 128
MAX_CHANNELS = 100
D_OUT = 4
HID = MAX_CHANNELS * D_OUT  # 400
HEADS = 1


def setup_inputs(seed: int = 0) -> dict:
    key = jax.random.key(seed)
    ks = jax.random.split(key, 12)
    x = jax.random.normal(ks[0], (N, D_IN), dtype=jnp.float32)
    edge_index = jax.random.randint(ks[1], (2, E), 0, N, dtype=jnp.int32)
    # FeaStConv layer 1: in=D_IN, out=HID, heads=1
    s1 = 1.0 / np.sqrt(D_IN)
    W1 = jax.random.normal(ks[2], (D_IN, HEADS * HID), dtype=jnp.float32) * s1
    U1 = jax.random.normal(ks[3], (D_IN, HEADS), dtype=jnp.float32) * s1
    c1 = jax.random.normal(ks[4], (HEADS,), dtype=jnp.float32) * 0.1
    b1 = jnp.zeros((HID,), dtype=jnp.float32)
    # FeaStConv layer 2: in=HID, out=D_OUT, heads=1
    s2 = 1.0 / np.sqrt(HID)
    W2 = jax.random.normal(ks[5], (HID, HEADS * D_OUT), dtype=jnp.float32) * s2
    U2 = jax.random.normal(ks[6], (HID, HEADS), dtype=jnp.float32) * s2
    c2 = jax.random.normal(ks[7], (HEADS,), dtype=jnp.float32) * 0.1
    b2 = jnp.zeros((D_OUT,), dtype=jnp.float32)
    return {"x": x, "edge_index": edge_index, "W1": W1, "U1": U1, "c1": c1,
            "b1": b1, "W2": W2, "U2": U2, "c2": c2, "b2": b2}


def _feast_conv(x, edge_index, W, U, c, b, heads, out_ch):
    n = x.shape[0]
    src, dst = edge_index[0], edge_index[1]
    # remove_self_loops: route any pre-existing self loop to dummy segment n
    keep = src != dst
    dst_eff = jnp.where(keep, dst, n)
    # add_self_loops for every node
    loop = jnp.arange(n, dtype=src.dtype)
    src_all = jnp.concatenate([src, loop])
    dst_all = jnp.concatenate([dst_eff, loop])
    x_j = jnp.take(x, jnp.clip(src_all, 0, n - 1), axis=0)
    x_i = jnp.take(x, jnp.clip(dst_all, 0, n - 1), axis=0)
    # attention over heads (heads=1 -> softmax of singleton = 1, kept for fidelity)
    q = jax.nn.softmax((x_j - x_i) @ U + c, axis=-1)  # [E', heads]
    t = (x_j @ W).reshape(-1, heads, out_ch)          # [E', heads, out]
    msg = jnp.sum(t * q[:, :, None], axis=1)          # [E', out]
    summed = jax.ops.segment_sum(msg, dst_all, num_segments=n + 1)
    cnt = jax.ops.segment_sum(jnp.ones((dst_all.shape[0],), dtype=x.dtype), dst_all,
                              num_segments=n + 1)
    out = summed[:n] / jnp.clip(cnt[:n], 1.0, None)[:, None]  # mean aggregation
    return out + b


def reference(x, edge_index, W1, U1, c1, b1, W2, U2, c2, b2):
    h = jax.nn.relu(_feast_conv(x, edge_index, W1, U1, c1, b1, HEADS, HID))
    # Dropout(p=0.1) is identity in eval mode
    out = jax.nn.relu(_feast_conv(h, edge_index, W2, U2, c2, b2, HEADS, D_OUT))
    return out

if __name__ == "__main__":
    import jax
    _d = setup_inputs()
    print(jax.jit(kernel)(*tuple(_d.values())))

</pallas_src>

<mosaic_0001>
#map = affine_map<(d0, d1) -> (0, 0)>
#map1 = affine_map<(d0, d1) -> (0, 0, 0)>
module attributes {stable_mosaic.version = 14 : i64} {
  func.func @k(%arg0: i32, %arg1: i32, %arg2: memref<20002x80xbf16, #tpu.memory_space<hbm>>, %arg3: memref<2x1280x128xi32, #tpu.memory_space<hbm>>, %arg4: memref<1280x128xi32, #tpu.memory_space<hbm>>, %arg5: memref<625x80xbf16, #tpu.memory_space<hbm>>, %arg6: memref<2x10000x80xbf16, #tpu.memory_space<hbm>>, %arg7: memref<80x128xi32, #tpu.memory_space<vmem>>, %arg8: memref<80x128xi32, #tpu.memory_space<vmem>>, %arg9: memref<128x80xbf16, #tpu.memory_space<vmem>>, %arg10: memref<128x80xbf16, #tpu.memory_space<vmem>>, %arg11: memref<128x80xbf16, #tpu.memory_space<vmem>>, %arg12: memref<128x80xbf16, #tpu.memory_space<vmem>>, %arg13: memref<10000x80xbf16, #tpu.memory_space<vmem_shared>>, %arg14: memref<!tpu.dma_semaphore, #tpu.memory_space<semaphore_mem>>, %arg15: memref<!tpu.dma_semaphore, #tpu.memory_space<semaphore_mem>>, %arg16: memref<!tpu.dma_semaphore, #tpu.memory_space<semaphore_mem>>, %arg17: memref<!tpu.dma_semaphore, #tpu.memory_space<semaphore_mem>>, %arg18: memref<!tpu.dma_semaphore, #tpu.memory_space<semaphore_mem>>, %arg19: memref<!tpu.dma_semaphore, #tpu.memory_space<semaphore_mem>>, %arg20: memref<!tpu.dma_semaphore, #tpu.memory_space<semaphore_mem>>, %arg21: memref<!tpu.dma_semaphore, #tpu.memory_space<semaphore_mem>>) attributes {dimension_semantics = [#tpu.dimension_semantics<core_parallel>, #tpu.dimension_semantics<subcore_parallel>], iteration_bounds = array<i64: 2, 16>, scalar_prefetch = 0 : i64, scratch_operands = 15 : i64, tpu.core_type = #tpu.core_type<sc_vector_subcore>, window_params = [{transform_indices = #map}, {transform_indices = #map1}, {transform_indices = #map}, {transform_indices = #map}, {transform_indices = #map1}]} {
    %mul3A = arith.constant 625 : i32
    %mul3A_0 = arith.muli %arg1, %mul3A : i32
    "tpu.region"() ({
      %run_scoped3A = tpu.sem_alloc : memref<!tpu.dma_semaphore, #tpu.memory_space<semaphore_mem>>
      %dma_start3A_39 = arith.constant 0 : i32
      %dma_start3A_40 = tpu.memref_slice %arg13[%mul3A_0, %dma_start3A_39] : memref<10000x80xbf16, #tpu.memory_space<vmem_shared>> -> memref<625x80xbf16, #tpu.memory_space<vmem_shared>>
      tpu.enqueue_dma source(%arg5 : memref<625x80xbf16, #tpu.memory_space<hbm>>) target(%dma_start3A_40 : memref<625x80xbf16, #tpu.memory_space<vmem_shared>>) target_semaphore(%run_scoped3A : memref<!tpu.dma_semaphore, #tpu.memory_space<semaphore_mem>>)
      %dma_wait3A_41 = arith.constant 0 : i32
      %dma_wait3A_42 = tpu.memref_slice %arg13[%mul3A_0, %dma_wait3A_41] : memref<10000x80xbf16, #tpu.memory_space<vmem_shared>> -> memref<625x80xbf16, #tpu.memory_space<vmem_shared>>
      tpu.wait_dma2 semaphore(%run_scoped3A : memref<!tpu.dma_semaphore, #tpu.memory_space<semaphore_mem>>) src(%arg5 : memref<625x80xbf16, #tpu.memory_space<hbm>>) dst(%dma_wait3A_42 : memref<625x80xbf16, #tpu.memory_space<vmem_shared>>)
      tpu.yield
    }) : () -> ()
    %mul3A_1 = arith.constant 80 : i32
    %mul3A_2 = arith.muli %arg1, %mul3A_1 : i32
    "tpu.region"() ({
      %run_scoped3A = tpu.sem_alloc : memref<!tpu.dma_semaphore, #tpu.memory_space<semaphore_mem>>
      %dma_start3A_39 = arith.constant 0 : i32
      %dma_start3A_40 = tpu.memref_slice %arg3[%arg0, %mul3A_2, %dma_start3A_39] : memref<2x1280x128xi32, #tpu.memory_space<hbm>> -> memref<1x80x128xi32, #tpu.memory_space<hbm>>
      %dma_start3A_41 = tpu.memref_squeeze %dma_start3A_40 : memref<1x80x128xi32, #tpu.memory_space<hbm>> -> memref<80x128xi32, #tpu.memory_space<hbm>>
      %dma_start3A_42 = arith.constant 0 : i32
      %dma_start3A_43 = tpu.memref_slice %arg3[%arg0, %mul3A_2, %dma_start3A_42] : memref<2x1280x128xi32, #tpu.memory_space<hbm>> -> memref<1x80x128xi32, #tpu.memory_space<hbm>>
      %dma_start3A_44 = tpu.memref_squeeze %dma_start3A_43 : memref<1x80x128xi32, #tpu.memory_space<hbm>> -> memref<80x128xi32, #tpu.memory_space<hbm>>
      tpu.enqueue_dma source(%dma_start3A_44 : memref<80x128xi32, #tpu.memory_space<hbm>>) target(%arg7 : memref<80x128xi32, #tpu.memory_space<vmem>>) target_semaphore(%run_scoped3A : memref<!tpu.dma_semaphore, #tpu.memory_space<semaphore_mem>>)
      %dma_wait3A_45 = arith.constant 0 : i32
      %dma_wait3A_46 = tpu.memref_slice %arg3[%arg0, %mul3A_2, %dma_wait3A_45] : memref<2x1280x128xi32, #tpu.memory_space<hbm>> -> memref<1x80x128xi32, #tpu.memory_space<hbm>>
      %dma_wait3A_47 = tpu.memref_squeeze %dma_wait3A_46 : memref<1x80x128xi32, #tpu.memory_space<hbm>> -> memref<80x128xi32, #tpu.memory_space<hbm>>
      %dma_wait3A_48 = arith.constant 0 : i32
      %dma_wait3A_49 = tpu.memref_slice %arg3[%arg0, %mul3A_2, %dma_wait3A_48] : memref<2x1280x128xi32, #tpu.memory_space<hbm>> -> memref<1x80x128xi32, #tpu.memory_space<hbm>>
      %dma_wait3A_50 = tpu.memref_squeeze %dma_wait3A_49 : memref<1x80x128xi32, #tpu.memory_space<hbm>> -> memref<80x128xi32, #tpu.memory_space<hbm>>
      tpu.wait_dma2 semaphore(%run_scoped3A : memref<!tpu.dma_semaphore, #tpu.memory_space<semaphore_mem>>) src(%dma_wait3A_50 : memref<80x128xi32, #tpu.memory_space<hbm>>) dst(%arg7 : memref<80x128xi32, #tpu.memory_space<vmem>>)
      tpu.yield
    }) : () -> ()
    "tpu.region"() ({
      %run_scoped3A = tpu.sem_alloc : memref<!tpu.dma_semaphore, #tpu.memory_space<semaphore_mem>>
      %dma_start3A_39 = arith.constant 0 : i32
      %dma_start3A_40 = tpu.memref_slice %arg4[%mul3A_2, %dma_start3A_39] : memref<1280x128xi32, #tpu.memory_space<hbm>> -> memref<80x128xi32, #tpu.memory_space<hbm>>
      %dma_start3A_41 = arith.constant 0 : i32
      %dma_start3A_42 = tpu.memref_slice %arg4[%mul3A_2, %dma_start3A_41] : memref<1280x128xi32, #tpu.memory_space<hbm>> -> memref<80x128xi32, #tpu.memory_space<hbm>>
      tpu.enqueue_dma source(%dma_start3A_42 : memref<80x128xi32, #tpu.memory_space<hbm>>) target(%arg8 : memref<80x128xi32, #tpu.memory_space<vmem>>) target_semaphore(%run_scoped3A : memref<!tpu.dma_semaphore, #tpu.memory_space<semaphore_mem>>)
      %dma_wait3A_43 = arith.constant 0 : i32
      %dma_wait3A_44 = tpu.memref_slice %arg4[%mul3A_2, %dma_wait3A_43] : memref<1280x128xi32, #tpu.memory_space<hbm>> -> memref<80x128xi32, #tpu.memory_space<hbm>>
      %dma_wait3A_45 = arith.constant 0 : i32
      %dma_wait3A_46 = tpu.memref_slice %arg4[%mul3A_2, %dma_wait3A_45] : memref<1280x128xi32, #tpu.memory_space<hbm>> -> memref<80x128xi32, #tpu.memory_space<hbm>>
      tpu.wait_dma2 semaphore(%run_scoped3A : memref<!tpu.dma_semaphore, #tpu.memory_space<semaphore_mem>>) src(%dma_wait3A_46 : memref<80x128xi32, #tpu.memory_space<hbm>>) dst(%arg8 : memref<80x128xi32, #tpu.memory_space<vmem>>)
      tpu.yield
    }) : () -> ()
    %barrier3A = arith.constant 0 : index
    tpu.barrier barrier_id(%barrier3A)
    %dma_start3A = arith.constant 0 : i32
    %dma_start3A_3 = arith.constant 0 : i32
    %dma_start3A_4 = tpu.memref_slice %arg7[%dma_start3A, %dma_start3A_3] : memref<80x128xi32, #tpu.memory_space<vmem>> -> memref<1x128xi32, #tpu.memory_space<vmem>>
    %dma_start3A_5 = tpu.memref_squeeze %dma_start3A_4 : memref<1x128xi32, #tpu.memory_space<vmem>> -> memref<128xi32, #tpu.memory_space<vmem>>
    %dma_start3A_6 = arith.constant 0 : i32
    %dma_start3A_7 = arith.constant 0 : i32
    %dma_start3A_8 = tpu.memref_slice %arg2[%dma_start3A_6, %dma_start3A_7] : memref<20002x80xbf16, #tpu.memory_space<hbm>> -> memref<20002x80xbf16, #tpu.memory_space<hbm>>
    tpu.enqueue_indirect_dma source(%dma_start3A_8 : memref<20002x80xbf16, #tpu.memory_space<hbm>>) target(%arg9 : memref<128x80xbf16, #tpu.memory_space<vmem>>) offsets(%dma_start3A_5 : memref<128xi32, #tpu.memory_space<vmem>>) semaphore(%arg14 : memref<!tpu.dma_semaphore, #tpu.memory_space<semaphore_mem>>)
    %dma_start3A_9 = arith.constant 1 : i32
    %dma_start3A_10 = arith.constant 0 : i32
    %dma_start3A_11 = tpu.memref_slice %arg7[%dma_start3A_9, %dma_start3A_10] : memref<80x128xi32, #tpu.memory_space<vmem>> -> memref<1x128xi32, #tpu.memory_space<vmem>>
    %dma_start3A_12 = tpu.memref_squeeze %dma_start3A_11 : memref<1x128xi32, #tpu.memory_space<vmem>> -> memref<128xi32, #tpu.memory_space<vmem>>
    %dma_start3A_13 = arith.constant 0 : i32
    %dma_start3A_14 = arith.constant 0 : i32
    %dma_start3A_15 = tpu.memref_slice %arg2[%dma_start3A_13, %dma_start3A_14] : memref<20002x80xbf16, #tpu.memory_space<hbm>> -> memref<20002x80xbf16, #tpu.memory_space<hbm>>
    tpu.enqueue_indirect_dma source(%dma_start3A_15 : memref<20002x80xbf16, #tpu.memory_space<hbm>>) target(%arg10 : memref<128x80xbf16, #tpu.memory_space<vmem>>) offsets(%dma_start3A_12 : memref<128xi32, #tpu.memory_space<vmem>>) semaphore(%arg15 : memref<!tpu.dma_semaphore, #tpu.memory_space<semaphore_mem>>)
    %scan3A = arith.constant 0 : i32
    %scan3A_16 = arith.constant 0 : i32
    %scan3A_17 = arith.constant 20 : i32
    %scan3A_18 = arith.addi %scan3A_16, %scan3A_17 : i32
    %scan3A_19 = arith.constant 1 : i32
    scf.for %scan3A_39 = %scan3A_16 to %scan3A_18 step %scan3A_19  : i32 {
      %mul3A_40 = arith.constant 4 : i32
      %mul3A_41 = arith.muli %mul3A_40, %scan3A_39 : i32
      %add3A = arith.constant 0 : i32
      %add3A_42 = arith.addi %mul3A_41, %add3A : i32
      %dma_wait3A_43 = arith.constant 0 : i32
      %dma_wait3A_44 = tpu.memref_slice %arg7[%add3A_42, %dma_wait3A_43] : memref<80x128xi32, #tpu.memory_space<vmem>> -> memref<1x128xi32, #tpu.memory_space<vmem>>
      %dma_wait3A_45 = tpu.memref_squeeze %dma_wait3A_44 : memref<1x128xi32, #tpu.memory_space<vmem>> -> memref<128xi32, #tpu.memory_space<vmem>>
      %dma_wait3A_46 = arith.constant 0 : i32
      %dma_wait3A_47 = arith.constant 0 : i32
      %dma_wait3A_48 = tpu.memref_slice %arg2[%dma_wait3A_46, %dma_wait3A_47] : memref<20002x80xbf16, #tpu.memory_space<hbm>> -> memref<20002x80xbf16, #tpu.memory_space<hbm>>
      tpu.wait_indirect_dma semaphore(%arg14 : memref<!tpu.dma_semaphore, #tpu.memory_space<semaphore_mem>>) src(%dma_wait3A_48 : memref<20002x80xbf16, #tpu.memory_space<hbm>>) dst(%arg9 : memref<128x80xbf16, #tpu.memory_space<vmem>>)
      %dma_start3A_49 = arith.constant 0 : i32
      %dma_start3A_50 = tpu.memref_slice %arg8[%add3A_42, %dma_start3A_49] : memref<80x128xi32, #tpu.memory_space<vmem>> -> memref<1x128xi32, #tpu.memory_space<vmem>>
      %dma_start3A_51 = tpu.memref_squeeze %dma_start3A_50 : memref<1x128xi32, #tpu.memory_space<vmem>> -> memref<128xi32, #tpu.memory_space<vmem>>
      %dma_start3A_52 = arith.constant 0 : i32
      %dma_start3A_53 = arith.constant 0 : i32
      %dma_start3A_54 = tpu.memref_slice %arg13[%dma_start3A_52, %dma_start3A_53] : memref<10000x80xbf16, #tpu.memory_space<vmem_shared>> -> memref<10000x80xbf16, #tpu.memory_space<vmem_shared>>
      tpu.enqueue_indirect_dma source(%arg9 : memref<128x80xbf16, #tpu.memory_space<vmem>>) target(%dma_start3A_54 : memref<10000x80xbf16, #tpu.memory_space<vmem_shared>>) offsets(%dma_start3A_51 : memref<128xi32, #tpu.memory_space<vmem>>) semaphore(%arg18 : memref<!tpu.dma_semaphore, #tpu.memory_space<semaphore_mem>>) {add = true}
      %gt3A = arith.constant 0 : i32
      %gt3A_55 = arith.cmpi sgt, %scan3A_39, %gt3A : i32
      %convert_element_type3A = arith.extui %gt3A_55 : i1 to i32
      %cond3A = arith.constant 0 : i32
      %cond3A_56 = arith.cmpi ne, %convert_element_type3A, %cond3A : i32
      scf.if %cond3A_56 {
        %sub3A_150 = arith.constant 2 : i32
        %sub3A_151 = arith.subi %add3A_42, %sub3A_150 : i32
        %dma_wait3A_152 = arith.constant 0 : i32
        %dma_wait3A_153 = tpu.memref_slice %arg8[%sub3A_151, %dma_wait3A_152] : memref<80x128xi32, #tpu.memory_space<vmem>> -> memref<1x128xi32, #tpu.memory_space<vmem>>
        %dma_wait3A_154 = tpu.memref_squeeze %dma_wait3A_153 : memref<1x128xi32, #tpu.memory_space<vmem>> -> memref<128xi32, #tpu.memory_space<vmem>>
        %dma_wait3A_155 = arith.constant 0 : i32
        %dma_wait3A_156 = arith.constant 0 : i32
        %dma_wait3A_157 = tpu.memref_slice %arg13[%dma_wait3A_155, %dma_wait3A_156] : memref<10000x80xbf16, #tpu.memory_space<vmem_shared>> -> memref<10000x80xbf16, #tpu.memory_space<vmem_shared>>
        tpu.wait_indirect_dma semaphore(%arg20 : memref<!tpu.dma_semaphore, #tpu.memory_space<semaphore_mem>>) src(%arg11 : memref<128x80xbf16, #tpu.memory_space<vmem>>) dst(%dma_wait3A_157 : memref<10000x80xbf16, #tpu.memory_space<vmem_shared>>)
      } else {
      }
      %add3A_57 = arith.constant 2 : i32
      %add3A_58 = arith.addi %add3A_42, %add3A_57 : i32
      %dma_start3A_59 = arith.constant 0 : i32
      %dma_start3A_60 = tpu.memref_slice %arg7[%add3A_58, %dma_start3A_59] : memref<80x128xi32, #tpu.memory_space<vmem>> -> memref<1x128xi32, #tpu.memory_space<vmem>>
      %dma_start3A_61 = tpu.memref_squeeze %dma_start3A_60 : memref<1x128xi32, #tpu.memory_space<vmem>> -> memref<128xi32, #tpu.memory_space<vmem>>
      %dma_start3A_62 = arith.constant 0 : i32
      %dma_start3A_63 = arith.constant 0 : i32
      %dma_start3A_64 = tpu.memref_slice %arg2[%dma_start3A_62, %dma_start3A_63] : memref<20002x80xbf16, #tpu.memory_space<hbm>> -> memref<20002x80xbf16, #tpu.memory_space<hbm>>
      tpu.enqueue_indirect_dma source(%dma_start3A_64 : memref<20002x80xbf16, #tpu.memory_space<hbm>>) target(%arg11 : memref<128x80xbf16, #tpu.memory_space<vmem>>) offsets(%dma_start3A_61 : memref<128xi32, #tpu.memory_space<vmem>>) semaphore(%arg16 : memref<!tpu.dma_semaphore, #tpu.memory_space<semaphore_mem>>)
      %mul3A_65 = arith.constant 4 : i32
      %mul3A_66 = arith.muli %mul3A_65, %scan3A_39 : i32
      %add3A_67 = arith.constant 1 : i32
      %add3A_68 = arith.addi %mul3A_66, %add3A_67 : i32
      %dma_wait3A_69 = arith.constant 0 : i32
      %dma_wait3A_70 = tpu.memref_slice %arg7[%add3A_68, %dma_wait3A_69] : memref<80x128xi32, #tpu.memory_space<vmem>> -> memref<1x128xi32, #tpu.memory_space<vmem>>
      %dma_wait3A_71 = tpu.memref_squeeze %dma_wait3A_70 : memref<1x128xi32, #tpu.memory_space<vmem>> -> memref<128xi32, #tpu.memory_space<vmem>>
      %dma_wait3A_72 = arith.constant 0 : i32
      %dma_wait3A_73 = arith.constant 0 : i32
      %dma_wait3A_74 = tpu.memref_slice %arg2[%dma_wait3A_72, %dma_wait3A_73] : memref<20002x80xbf16, #tpu.memory_space<hbm>> -> memref<20002x80xbf16, #tpu.memory_space<hbm>>
      tpu.wait_indirect_dma semaphore(%arg15 : memref<!tpu.dma_semaphore, #tpu.memory_space<semaphore_mem>>) src(%dma_wait3A_74 : memref<20002x80xbf16, #tpu.memory_space<hbm>>) dst(%arg10 : memref<128x80xbf16, #tpu.memory_space<vmem>>)
      %dma_start3A_75 = arith.constant 0 : i32
      %dma_start3A_76 = tpu.memref_slice %arg8[%add3A_68, %dma_start3A_75] : memref<80x128xi32, #tpu.memory_space<vmem>> -> memref<1x128xi32, #tpu.memory_space<vmem>>
      %dma_start3A_77 = tpu.memref_squeeze %dma_start3A_76 : memref<1x128xi32, #tpu.memory_space<vmem>> -> memref<128xi32, #tpu.memory_space<vmem>>
      %dma_start3A_78 = arith.constant 0 : i32
      %dma_start3A_79 = arith.constant 0 : i32
      %dma_start3A_80 = tpu.memref_slice %arg13[%dma_start3A_78, %dma_start3A_79] : memref<10000x80xbf16, #tpu.memory_space<vmem_shared>> -> memref<10000x80xbf16, #tpu.memory_space<vmem_shared>>
      tpu.enqueue_indirect_dma source(%arg10 : memref<128x80xbf16, #tpu.memory_space<vmem>>) target(%dma_start3A_80 : memref<10000x80xbf16, #tpu.memory_space<vmem_shared>>) offsets(%dma_start3A_77 : memref<128xi32, #tpu.memory_space<vmem>>) semaphore(%arg19 : memref<!tpu.dma_semaphore, #tpu.memory_space<semaphore_mem>>) {add = true}
      %gt3A_81 = arith.constant 0 : i32
      %gt3A_82 = arith.cmpi sgt, %scan3A_39, %gt3A_81 : i32
      %convert_element_type3A_83 = arith.extui %gt3A_82 : i1 to i32
      %cond3A_84 = arith.constant 0 : i32
      %cond3A_85 = arith.cmpi ne, %convert_element_type3A_83, %cond3A_84 : i32
      scf.if %cond3A_85 {
        %sub3A_150 = arith.constant 2 : i32
        %sub3A_151 = arith.subi %add3A_68, %sub3A_150 : i32
        %dma_wait3A_152 = arith.constant 0 : i32
        %dma_wait3A_153 = tpu.memref_slice %arg8[%sub3A_151, %dma_wait3A_152] : memref<80x128xi32, #tpu.memory_space<vmem>> -> memref<1x128xi32, #tpu.memory_space<vmem>>
        %dma_wait3A_154 = tpu.memref_squeeze %dma_wait3A_153 : memref<1x128xi32, #tpu.memory_space<vmem>> -> memref<128xi32, #tpu.memory_space<vmem>>
        %dma_wait3A_155 = arith.constant 0 : i32
        %dma_wait3A_156 = arith.constant 0 : i32
        %dma_wait3A_157 = tpu.memref_slice %arg13[%dma_wait3A_155, %dma_wait3A_156] : memref<10000x80xbf16, #tpu.memory_space<vmem_shared>> -> memref<10000x80xbf16, #tpu.memory_space<vmem_shared>>
        tpu.wait_indirect_dma semaphore(%arg21 : memref<!tpu.dma_semaphore, #tpu.memory_space<semaphore_mem>>) src(%arg12 : memref<128x80xbf16, #tpu.memory_space<vmem>>) dst(%dma_wait3A_157 : memref<10000x80xbf16, #tpu.memory_space<vmem_shared>>)
      } else {
      }
      %add3A_86 = arith.constant 2 : i32
      %add3A_87 = arith.addi %add3A_68, %add3A_86 : i32
      %dma_start3A_88 = arith.constant 0 : i32
      %dma_start3A_89 = tpu.memref_slice %arg7[%add3A_87, %dma_start3A_88] : memref<80x128xi32, #tpu.memory_space<vmem>> -> memref<1x128xi32, #tpu.memory_space<vmem>>
      %dma_start3A_90 = tpu.memref_squeeze %dma_start3A_89 : memref<1x128xi32, #tpu.memory_space<vmem>> -> memref<128xi32, #tpu.memory_space<vmem>>
      %dma_start3A_91 = arith.constant 0 : i32
      %dma_start3A_92 = arith.constant 0 : i32
      %dma_start3A_93 = tpu.memref_slice %arg2[%dma_start3A_91, %dma_start3A_92] : memref<20002x80xbf16, #tpu.memory_space<hbm>> -> memref<20002x80xbf16, #tpu.memory_space<hbm>>
      tpu.enqueue_indirect_dma source(%dma_start3A_93 : memref<20002x80xbf16, #tpu.memory_space<hbm>>) target(%arg12 : memref<128x80xbf16, #tpu.memory_space<vmem>>) offsets(%dma_start3A_90 : memref<128xi32, #tpu.memory_space<vmem>>) semaphore(%arg17 : memref<!tpu.dma_semaphore, #tpu.memory_space<semaphore_mem>>)
      %mul3A_94 = arith.constant 4 : i32
      %mul3A_95 = arith.muli %mul3A_94, %scan3A_39 : i32
      %add3A_96 = arith.constant 2 : i32
      %add3A_97 = arith.addi %mul3A_95, %add3A_96 : i32
      %dma_wait3A_98 = arith.constant 0 : i32
      %dma_wait3A_99 = tpu.memref_slice %arg7[%add3A_97, %dma_wait3A_98] : memref<80x128xi32, #tpu.memory_space<vmem>> -> memref<1x128xi32, #tpu.memory_space<vmem>>
      %dma_wait3A_100 = tpu.memref_squeeze %dma_wait3A_99 : memref<1x128xi32, #tpu.memory_space<vmem>> -> memref<128xi32, #tpu.memory_space<vmem>>
      %dma_wait3A_101 = arith.constant 0 : i32
      %dma_wait3A_102 = arith.constant 0 : i32
      %dma_wait3A_103 = tpu.memref_slice %arg2[%dma_wait3A_101, %dma_wait3A_102] : memref<20002x80xbf16, #tpu.memory_space<hbm>> -> memref<20002x80xbf16, #tpu.memory_space<hbm>>
      tpu.wait_indirect_dma semaphore(%arg16 : memref<!tpu.dma_semaphore, #tpu.memory_space<semaphore_mem>>) src(%dma_wait3A_103 : memref<20002x80xbf16, #tpu.memory_space<hbm>>) dst(%arg11 : memref<128x80xbf16, #tpu.memory_space<vmem>>)
      %dma_start3A_104 = arith.constant 0 : i32
      %dma_start3A_105 = tpu.memref_slice %arg8[%add3A_97, %dma_start3A_104] : memref<80x128xi32, #tpu.memory_space<vmem>> -> memref<1x128xi32, #tpu.memory_space<vmem>>
      %dma_start3A_106 = tpu.memref_squeeze %dma_start3A_105 : memref<1x128xi32, #tpu.memory_space<vmem>> -> memref<128xi32, #tpu.memory_space<vmem>>
      %dma_start3A_107 = arith.constant 0 : i32
      %dma_start3A_108 = arith.constant 0 : i32
      %dma_start3A_109 = tpu.memref_slice %arg13[%dma_start3A_107, %dma_start3A_108] : memref<10000x80xbf16, #tpu.memory_space<vmem_shared>> -> memref<10000x80xbf16, #tpu.memory_space<vmem_shared>>
      tpu.enqueue_indirect_dma source(%arg11 : memref<128x80xbf16, #tpu.memory_space<vmem>>) target(%dma_start3A_109 : memref<10000x80xbf16, #tpu.memory_space<vmem_shared>>) offsets(%dma_start3A_106 : memref<128xi32, #tpu.memory_space<vmem>>) semaphore(%arg20 : memref<!tpu.dma_semaphore, #tpu.memory_space<semaphore_mem>>) {add = true}
      %sub3A = arith.constant 2 : i32
      %sub3A_110 = arith.subi %add3A_97, %sub3A : i32
      %dma_wait3A_111 = arith.constant 0 : i32
      %dma_wait3A_112 = tpu.memref_slice %arg8[%sub3A_110, %dma_wait3A_111] : memref<80x128xi32, #tpu.memory_space<vmem>> -> memref<1x128xi32, #tpu.memory_space<vmem>>
      %dma_wait3A_113 = tpu.memref_squeeze %dma_wait3A_112 : memref<1x128xi32, #tpu.memory_space<vmem>> -> memref<128xi32, #tpu.memory_space<vmem>>
      %dma_wait3A_114 = arith.constant 0 : i32
      %dma_wait3A_115 = arith.constant 0 : i32
      %dma_wait3A_116 = tpu.memref_slice %arg13[%dma_wait3A_114, %dma_wait3A_115] : memref<10000x80xbf16, #tpu.memory_space<vmem_shared>> -> memref<10000x80xbf16, #tpu.memory_space<vmem_shared>>
      tpu.wait_indirect_dma semaphore(%arg18 : memref<!tpu.dma_semaphore, #tpu.memory_space<semaphore_mem>>) src(%arg9 : memref<128x80xbf16, #tpu.memory_space<vmem>>) dst(%dma_wait3A_116 : memref<10000x80xbf16, #tpu.memory_space<vmem_shared>>)
      %lt3A = arith.constant 19 : i32
      %lt3A_117 = arith.cmpi slt, %scan3A_39, %lt3A : i32
      %convert_element_type3A_118 = arith.extui %lt3A_117 : i1 to i32
      %cond3A_119 = arith.constant 0 : i32
      %cond3A_120 = arith.cmpi ne, %convert_element_type3A_118, %cond3A_119 : i32
      scf.if %cond3A_120 {
        %add3A_150 = arith.constant 2 : i32
        %add3A_151 = arith.addi %add3A_97, %add3A_150 : i32
        %dma_start3A_152 = arith.constant 0 : i32
        %dma_start3A_153 = tpu.memref_slice %arg7[%add3A_151, %dma_start3A_152] : memref<80x128xi32, #tpu.memory_space<vmem>> -> memref<1x128xi32, #tpu.memory_space<vmem>>
        %dma_start3A_154 = tpu.memref_squeeze %dma_start3A_153 : memref<1x128xi32, #tpu.memory_space<vmem>> -> memref<128xi32, #tpu.memory_space<vmem>>
        %dma_start3A_155 = arith.constant 0 : i32
        %dma_start3A_156 = arith.constant 0 : i32
        %dma_start3A_157 = tpu.memref_slice %arg2[%dma_start3A_155, %dma_start3A_156] : memref<20002x80xbf16, #tpu.memory_space<hbm>> -> memref<20002x80xbf16, #tpu.memory_space<hbm>>
        tpu.enqueue_indirect_dma source(%dma_start3A_157 : memref<20002x80xbf16, #tpu.memory_space<hbm>>) target(%arg9 : memref<128x80xbf16, #tpu.memory_space<vmem>>) offsets(%dma_start3A_154 : memref<128xi32, #tpu.memory_space<vmem>>) semaphore(%arg14 : memref<!tpu.dma_semaphore, #tpu.memory_space<semaphore_mem>>)
      } else {
      }
      %mul3A_121 = arith.constant 4 : i32
      %mul3A_122 = arith.muli %mul3A_121, %scan3A_39 : i32
      %add3A_123 = arith.constant 3 : i32
      %add3A_124 = arith.addi %mul3A_122, %add3A_123 : i32
      %dma_wait3A_125 = arith.constant 0 : i32
      %dma_wait3A_126 = tpu.memref_slice %arg7[%add3A_124, %dma_wait3A_125] : memref<80x128xi32, #tpu.memory_space<vmem>> -> memref<1x128xi32, #tpu.memory_space<vmem>>
      %dma_wait3A_127 = tpu.memref_squeeze %dma_wait3A_126 : memref<1x128xi32, #tpu.memory_space<vmem>> -> memref<128xi32, #tpu.memory_space<vmem>>
      %dma_wait3A_128 = arith.constant 0 : i32
      %dma_wait3A_129 = arith.constant 0 : i32
      %dma_wait3A_130 = tpu.memref_slice %arg2[%dma_wait3A_128, %dma_wait3A_129] : memref<20002x80xbf16, #tpu.memory_space<hbm>> -> memref<20002x80xbf16, #tpu.memory_space<hbm>>
      tpu.wait_indirect_dma semaphore(%arg17 : memref<!tpu.dma_semaphore, #tpu.memory_space<semaphore_mem>>) src(%dma_wait3A_130 : memref<20002x80xbf16, #tpu.memory_space<hbm>>) dst(%arg12 : memref<128x80xbf16, #tpu.memory_space<vmem>>)
      %dma_start3A_131 = arith.constant 0 : i32
      %dma_start3A_132 = tpu.memref_slice %arg8[%add3A_124, %dma_start3A_131] : memref<80x128xi32, #tpu.memory_space<vmem>> -> memref<1x128xi32, #tpu.memory_space<vmem>>
      %dma_start3A_133 = tpu.memref_squeeze %dma_start3A_132 : memref<1x128xi32, #tpu.memory_space<vmem>> -> memref<128xi32, #tpu.memory_space<vmem>>
      %dma_start3A_134 = arith.constant 0 : i32
      %dma_start3A_135 = arith.constant 0 : i32
      %dma_start3A_136 = tpu.memref_slice %arg13[%dma_start3A_134, %dma_start3A_135] : memref<10000x80xbf16, #tpu.memory_space<vmem_shared>> -> memref<10000x80xbf16, #tpu.memory_space<vmem_shared>>
      tpu.enqueue_indirect_dma source(%arg12 : memref<128x80xbf16, #tpu.memory_space<vmem>>) target(%dma_start3A_136 : memref<10000x80xbf16, #tpu.memory_space<vmem_shared>>) offsets(%dma_start3A_133 : memref<128xi32, #tpu.memory_space<vmem>>) semaphore(%arg21 : memref<!tpu.dma_semaphore, #tpu.memory_space<semaphore_mem>>) {add = true}
      %sub3A_137 = arith.constant 2 : i32
      %sub3A_138 = arith.subi %add3A_124, %sub3A_137 : i32
      %dma_wait3A_139 = arith.constant 0 : i32
      %dma_wait3A_140 = tpu.memref_slice %arg8[%sub3A_138, %dma_wait3A_139] : memref<80x128xi32, #tpu.memory_space<vmem>> -> memref<1x128xi32, #tpu.memory_space<vmem>>
      %dma_wait3A_141 = tpu.memref_squeeze %dma_wait3A_140 : memref<1x128xi32, #tpu.memory_space<vmem>> -> memref<128xi32, #tpu.memory_space<vmem>>
      %dma_wait3A_142 = arith.constant 0 : i32
      %dma_wait3A_143 = arith.constant 0 : i32
      %dma_wait3A_144 = tpu.memref_slice %arg13[%dma_wait3A_142, %dma_wait3A_143] : memref<10000x80xbf16, #tpu.memory_space<vmem_shared>> -> memref<10000x80xbf16, #tpu.memory_space<vmem_shared>>
      tpu.wait_indirect_dma semaphore(%arg19 : memref<!tpu.dma_semaphore, #tpu.memory_space<semaphore_mem>>) src(%arg10 : memref<128x80xbf16, #tpu.memory_space<vmem>>) dst(%dma_wait3A_144 : memref<10000x80xbf16, #tpu.memory_space<vmem_shared>>)
      %lt3A_145 = arith.constant 19 : i32
      %lt3A_146 = arith.cmpi slt, %scan3A_39, %lt3A_145 : i32
      %convert_element_type3A_147 = arith.extui %lt3A_146 : i1 to i32
      %cond3A_148 = arith.constant 0 : i32
      %cond3A_149 = arith.cmpi ne, %convert_element_type3A_147, %cond3A_148 : i32
      scf.if %cond3A_149 {
        %add3A_150 = arith.constant 2 : i32
        %add3A_151 = arith.addi %add3A_124, %add3A_150 : i32
        %dma_start3A_152 = arith.constant 0 : i32
        %dma_start3A_153 = tpu.memref_slice %arg7[%add3A_151, %dma_start3A_152] : memref<80x128xi32, #tpu.memory_space<vmem>> -> memref<1x128xi32, #tpu.memory_space<vmem>>
        %dma_start3A_154 = tpu.memref_squeeze %dma_start3A_153 : memref<1x128xi32, #tpu.memory_space<vmem>> -> memref<128xi32, #tpu.memory_space<vmem>>
        %dma_start3A_155 = arith.constant 0 : i32
        %dma_start3A_156 = arith.constant 0 : i32
        %dma_start3A_157 = tpu.memref_slice %arg2[%dma_start3A_155, %dma_start3A_156] : memref<20002x80xbf16, #tpu.memory_space<hbm>> -> memref<20002x80xbf16, #tpu.memory_space<hbm>>
        tpu.enqueue_indirect_dma source(%dma_start3A_157 : memref<20002x80xbf16, #tpu.memory_space<hbm>>) target(%arg10 : memref<128x80xbf16, #tpu.memory_space<vmem>>) offsets(%dma_start3A_154 : memref<128xi32, #tpu.memory_space<vmem>>) semaphore(%arg15 : memref<!tpu.dma_semaphore, #tpu.memory_space<semaphore_mem>>)
      } else {
      }
    }
    %scan3A_20 = arith.constant 20 : i32
    %dma_wait3A = arith.constant 78 : i32
    %dma_wait3A_21 = arith.constant 0 : i32
    %dma_wait3A_22 = tpu.memref_slice %arg8[%dma_wait3A, %dma_wait3A_21] : memref<80x128xi32, #tpu.memory_space<vmem>> -> memref<1x128xi32, #tpu.memory_space<vmem>>
    %dma_wait3A_23 = tpu.memref_squeeze %dma_wait3A_22 : memref<1x128xi32, #tpu.memory_space<vmem>> -> memref<128xi32, #tpu.memory_space<vmem>>
    %dma_wait3A_24 = arith.constant 0 : i32
    %dma_wait3A_25 = arith.constant 0 : i32
    %dma_wait3A_26 = tpu.memref_slice %arg13[%dma_wait3A_24, %dma_wait3A_25] : memref<10000x80xbf16, #tpu.memory_space<vmem_shared>> -> memref<10000x80xbf16, #tpu.memory_space<vmem_shared>>
    tpu.wait_indirect_dma semaphore(%arg20 : memref<!tpu.dma_semaphore, #tpu.memory_space<semaphore_mem>>) src(%arg11 : memref<128x80xbf16, #tpu.memory_space<vmem>>) dst(%dma_wait3A_26 : memref<10000x80xbf16, #tpu.memory_space<vmem_shared>>)
    %dma_wait3A_27 = arith.constant 79 : i32
    %dma_wait3A_28 = arith.constant 0 : i32
    %dma_wait3A_29 = tpu.memref_slice %arg8[%dma_wait3A_27, %dma_wait3A_28] : memref<80x128xi32, #tpu.memory_space<vmem>> -> memref<1x128xi32, #tpu.memory_space<vmem>>
    %dma_wait3A_30 = tpu.memref_squeeze %dma_wait3A_29 : memref<1x128xi32, #tpu.memory_space<vmem>> -> memref<128xi32, #tpu.memory_space<vmem>>
    %dma_wait3A_31 = arith.constant 0 : i32
    %dma_wait3A_32 = arith.constant 0 : i32
    %dma_wait3A_33 = tpu.memref_slice %arg13[%dma_wait3A_31, %dma_wait3A_32] : memref<10000x80xbf16, #tpu.memory_space<vmem_shared>> -> memref<10000x80xbf16, #tpu.memory_space<vmem_shared>>
    tpu.wait_indirect_dma semaphore(%arg21 : memref<!tpu.dma_semaphore, #tpu.memory_space<semaphore_mem>>) src(%arg12 : memref<128x80xbf16, #tpu.memory_space<vmem>>) dst(%dma_wait3A_33 : memref<10000x80xbf16, #tpu.memory_space<vmem_shared>>)
    %barrier3A_34 = arith.constant 0 : index
    tpu.barrier barrier_id(%barrier3A_34)
    %mul3A_35 = arith.constant 625 : i32
    %mul3A_36 = arith.muli %arg1, %mul3A_35 : i32
    %mul3A_37 = arith.constant 625 : i32
    %mul3A_38 = arith.muli %arg1, %mul3A_37 : i32
    "tpu.region"() ({
      %run_scoped3A = tpu.sem_alloc : memref<!tpu.dma_semaphore, #tpu.memory_space<semaphore_mem>>
      %dma_start3A_39 = arith.constant 0 : i32
      %dma_start3A_40 = tpu.memref_slice %arg6[%arg0, %mul3A_38, %dma_start3A_39] : memref<2x10000x80xbf16, #tpu.memory_space<hbm>> -> memref<1x625x80xbf16, #tpu.memory_space<hbm>>
      %dma_start3A_41 = tpu.memref_squeeze %dma_start3A_40 : memref<1x625x80xbf16, #tpu.memory_space<hbm>> -> memref<625x80xbf16, #tpu.memory_space<hbm>>
      %dma_start3A_42 = arith.constant 0 : i32
      %dma_start3A_43 = tpu.memref_slice %arg13[%mul3A_36, %dma_start3A_42] : memref<10000x80xbf16, #tpu.memory_space<vmem_shared>> -> memref<625x80xbf16, #tpu.memory_space<vmem_shared>>
      tpu.enqueue_dma source(%dma_start3A_43 : memref<625x80xbf16, #tpu.memory_space<vmem_shared>>) target(%dma_start3A_41 : memref<625x80xbf16, #tpu.memory_space<hbm>>) target_semaphore(%run_scoped3A : memref<!tpu.dma_semaphore, #tpu.memory_space<semaphore_mem>>)
      %dma_wait3A_44 = arith.constant 0 : i32
      %dma_wait3A_45 = tpu.memref_slice %arg6[%arg0, %mul3A_38, %dma_wait3A_44] : memref<2x10000x80xbf16, #tpu.memory_space<hbm>> -> memref<1x625x80xbf16, #tpu.memory_space<hbm>>
      %dma_wait3A_46 = tpu.memref_squeeze %dma_wait3A_45 : memref<1x625x80xbf16, #tpu.memory_space<hbm>> -> memref<625x80xbf16, #tpu.memory_space<hbm>>
      %dma_wait3A_47 = arith.constant 0 : i32
      %dma_wait3A_48 = tpu.memref_slice %arg13[%mul3A_36, %dma_wait3A_47] : memref<10000x80xbf16, #tpu.memory_space<vmem_shared>> -> memref<625x80xbf16, #tpu.memory_space<vmem_shared>>
      tpu.wait_dma2 semaphore(%run_scoped3A : memref<!tpu.dma_semaphore, #tpu.memory_space<semaphore_mem>>) src(%dma_wait3A_48 : memref<625x80xbf16, #tpu.memory_space<vmem_shared>>) dst(%dma_wait3A_46 : memref<625x80xbf16, #tpu.memory_space<hbm>>)
      tpu.yield
    }) : () -> ()
    return
  }
}

#map = affine_map<(d0, d1) -> (0, 0)>
#map1 = affine_map<(d0, d1) -> (0, 0, 0)>
module attributes {stable_mosaic.version = 14 : i64} {
  func.func @k(%arg0: i32, %arg1: i32, %arg2: memref<10001x8xf32, #tpu.memory_space<hbm>>, %arg3: memref<1280x128xi32, #tpu.memory_space<hbm>>, %arg4: memref<1280x128xi32, #tpu.memory_space<hbm>>, %arg5: memref<625x8xf32, #tpu.memory_space<hbm>>, %arg6: memref<2x10000x8xf32, #tpu.memory_space<hbm>>, %arg7: memref<40x128xi32, #tpu.memory_space<vmem>>, %arg8: memref<40x128xi32, #tpu.memory_space<vmem>>, %arg9: memref<128x8xf32, #tpu.memory_space<vmem>>, %arg10: memref<128x8xf32, #tpu.memory_space<vmem>>, %arg11: memref<128x8xf32, #tpu.memory_space<vmem>>, %arg12: memref<128x8xf32, #tpu.memory_space<vmem>>, %arg13: memref<10000x8xf32, #tpu.memory_space<vmem_shared>>, %arg14: memref<!tpu.dma_semaphore, #tpu.memory_space<semaphore_mem>>, %arg15: memref<!tpu.dma_semaphore, #tpu.memory_space<semaphore_mem>>, %arg16: memref<!tpu.dma_semaphore, #tpu.memory_space<semaphore_mem>>, %arg17: memref<!tpu.dma_semaphore, #tpu.memory_space<semaphore_mem>>, %arg18: memref<!tpu.dma_semaphore, #tpu.memory_space<semaphore_mem>>, %arg19: memref<!tpu.dma_semaphore, #tpu.memory_space<semaphore_mem>>, %arg20: memref<!tpu.dma_semaphore, #tpu.memory_space<semaphore_mem>>, %arg21: memref<!tpu.dma_semaphore, #tpu.memory_space<semaphore_mem>>) attributes {dimension_semantics = [#tpu.dimension_semantics<core_parallel>, #tpu.dimension_semantics<subcore_parallel>], iteration_bounds = array<i64: 2, 16>, scalar_prefetch = 0 : i64, scratch_operands = 15 : i64, tpu.core_type = #tpu.core_type<sc_vector_subcore>, window_params = [{transform_indices = #map}, {transform_indices = #map}, {transform_indices = #map}, {transform_indices = #map}, {transform_indices = #map1}]} {
    %mul3A = arith.constant 625 : i32
    %mul3A_0 = arith.muli %arg1, %mul3A : i32
    "tpu.region"() ({
      %run_scoped3A = tpu.sem_alloc : memref<!tpu.dma_semaphore, #tpu.memory_space<semaphore_mem>>
      %dma_start3A_41 = arith.constant 0 : i32
      %dma_start3A_42 = tpu.memref_slice %arg13[%mul3A_0, %dma_start3A_41] : memref<10000x8xf32, #tpu.memory_space<vmem_shared>> -> memref<625x8xf32, #tpu.memory_space<vmem_shared>>
      tpu.enqueue_dma source(%arg5 : memref<625x8xf32, #tpu.memory_space<hbm>>) target(%dma_start3A_42 : memref<625x8xf32, #tpu.memory_space<vmem_shared>>) target_semaphore(%run_scoped3A : memref<!tpu.dma_semaphore, #tpu.memory_space<semaphore_mem>>)
      %dma_wait3A_43 = arith.constant 0 : i32
      %dma_wait3A_44 = tpu.memref_slice %arg13[%mul3A_0, %dma_wait3A_43] : memref<10000x8xf32, #tpu.memory_space<vmem_shared>> -> memref<625x8xf32, #tpu.memory_space<vmem_shared>>
      tpu.wait_dma2 semaphore(%run_scoped3A : memref<!tpu.dma_semaphore, #tpu.memory_space<semaphore_mem>>) src(%arg5 : memref<625x8xf32, #tpu.memory_space<hbm>>) dst(%dma_wait3A_44 : memref<625x8xf32, #tpu.memory_space<vmem_shared>>)
      tpu.yield
    }) : () -> ()
    %mul3A_1 = arith.constant 640 : i32
    %mul3A_2 = arith.muli %arg0, %mul3A_1 : i32
    %mul3A_3 = arith.constant 40 : i32
    %mul3A_4 = arith.muli %arg1, %mul3A_3 : i32
    %add3A = arith.addi %mul3A_2, %mul3A_4 : i32
    "tpu.region"() ({
      %run_scoped3A = tpu.sem_alloc : memref<!tpu.dma_semaphore, #tpu.memory_space<semaphore_mem>>
      %dma_start3A_41 = arith.constant 0 : i32
      %dma_start3A_42 = tpu.memref_slice %arg3[%add3A, %dma_start3A_41] : memref<1280x128xi32, #tpu.memory_space<hbm>> -> memref<40x128xi32, #tpu.memory_space<hbm>>
      %dma_start3A_43 = arith.constant 0 : i32
      %dma_start3A_44 = tpu.memref_slice %arg3[%add3A, %dma_start3A_43] : memref<1280x128xi32, #tpu.memory_space<hbm>> -> memref<40x128xi32, #tpu.memory_space<hbm>>
      tpu.enqueue_dma source(%dma_start3A_44 : memref<40x128xi32, #tpu.memory_space<hbm>>) target(%arg7 : memref<40x128xi32, #tpu.memory_space<vmem>>) target_semaphore(%run_scoped3A : memref<!tpu.dma_semaphore, #tpu.memory_space<semaphore_mem>>)
      %dma_wait3A_45 = arith.constant 0 : i32
      %dma_wait3A_46 = tpu.memref_slice %arg3[%add3A, %dma_wait3A_45] : memref<1280x128xi32, #tpu.memory_space<hbm>> -> memref<40x128xi32, #tpu.memory_space<hbm>>
      %dma_wait3A_47 = arith.constant 0 : i32
      %dma_wait3A_48 = tpu.memref_slice %arg3[%add3A, %dma_wait3A_47] : memref<1280x128xi32, #tpu.memory_space<hbm>> -> memref<40x128xi32, #tpu.memory_space<hbm>>
      tpu.wait_dma2 semaphore(%run_scoped3A : memref<!tpu.dma_semaphore, #tpu.memory_space<semaphore_mem>>) src(%dma_wait3A_48 : memref<40x128xi32, #tpu.memory_space<hbm>>) dst(%arg7 : memref<40x128xi32, #tpu.memory_space<vmem>>)
      tpu.yield
    }) : () -> ()
    "tpu.region"() ({
      %run_scoped3A = tpu.sem_alloc : memref<!tpu.dma_semaphore, #tpu.memory_space<semaphore_mem>>
      %dma_start3A_41 = arith.constant 0 : i32
      %dma_start3A_42 = tpu.memref_slice %arg4[%add3A, %dma_start3A_41] : memref<1280x128xi32, #tpu.memory_space<hbm>> -> memref<40x128xi32, #tpu.memory_space<hbm>>
      %dma_start3A_43 = arith.constant 0 : i32
      %dma_start3A_44 = tpu.memref_slice %arg4[%add3A, %dma_start3A_43] : memref<1280x128xi32, #tpu.memory_space<hbm>> -> memref<40x128xi32, #tpu.memory_space<hbm>>
      tpu.enqueue_dma source(%dma_start3A_44 : memref<40x128xi32, #tpu.memory_space<hbm>>) target(%arg8 : memref<40x128xi32, #tpu.memory_space<vmem>>) target_semaphore(%run_scoped3A : memref<!tpu.dma_semaphore, #tpu.memory_space<semaphore_mem>>)
      %dma_wait3A_45 = arith.constant 0 : i32
      %dma_wait3A_46 = tpu.memref_slice %arg4[%add3A, %dma_wait3A_45] : memref<1280x128xi32, #tpu.memory_space<hbm>> -> memref<40x128xi32, #tpu.memory_space<hbm>>
      %dma_wait3A_47 = arith.constant 0 : i32
      %dma_wait3A_48 = tpu.memref_slice %arg4[%add3A, %dma_wait3A_47] : memref<1280x128xi32, #tpu.memory_space<hbm>> -> memref<40x128xi32, #tpu.memory_space<hbm>>
      tpu.wait_dma2 semaphore(%run_scoped3A : memref<!tpu.dma_semaphore, #tpu.memory_space<semaphore_mem>>) src(%dma_wait3A_48 : memref<40x128xi32, #tpu.memory_space<hbm>>) dst(%arg8 : memref<40x128xi32, #tpu.memory_space<vmem>>)
      tpu.yield
    }) : () -> ()
    %barrier3A = arith.constant 0 : index
    tpu.barrier barrier_id(%barrier3A)
    %dma_start3A = arith.constant 0 : i32
    %dma_start3A_5 = arith.constant 0 : i32
    %dma_start3A_6 = tpu.memref_slice %arg7[%dma_start3A, %dma_start3A_5] : memref<40x128xi32, #tpu.memory_space<vmem>> -> memref<1x128xi32, #tpu.memory_space<vmem>>
    %dma_start3A_7 = tpu.memref_squeeze %dma_start3A_6 : memref<1x128xi32, #tpu.memory_space<vmem>> -> memref<128xi32, #tpu.memory_space<vmem>>
    %dma_start3A_8 = arith.constant 0 : i32
    %dma_start3A_9 = arith.constant 0 : i32
    %dma_start3A_10 = tpu.memref_slice %arg2[%dma_start3A_8, %dma_start3A_9] : memref<10001x8xf32, #tpu.memory_space<hbm>> -> memref<10001x8xf32, #tpu.memory_space<hbm>>
    tpu.enqueue_indirect_dma source(%dma_start3A_10 : memref<10001x8xf32, #tpu.memory_space<hbm>>) target(%arg9 : memref<128x8xf32, #tpu.memory_space<vmem>>) offsets(%dma_start3A_7 : memref<128xi32, #tpu.memory_space<vmem>>) semaphore(%arg14 : memref<!tpu.dma_semaphore, #tpu.memory_space<semaphore_mem>>)
    %dma_start3A_11 = arith.constant 1 : i32
    %dma_start3A_12 = arith.constant 0 : i32
    %dma_start3A_13 = tpu.memref_slice %arg7[%dma_start3A_11, %dma_start3A_12] : memref<40x128xi32, #tpu.memory_space<vmem>> -> memref<1x128xi32, #tpu.memory_space<vmem>>
    %dma_start3A_14 = tpu.memref_squeeze %dma_start3A_13 : memref<1x128xi32, #tpu.memory_space<vmem>> -> memref<128xi32, #tpu.memory_space<vmem>>
    %dma_start3A_15 = arith.constant 0 : i32
    %dma_start3A_16 = arith.constant 0 : i32
    %dma_start3A_17 = tpu.memref_slice %arg2[%dma_start3A_15, %dma_start3A_16] : memref<10001x8xf32, #tpu.memory_space<hbm>> -> memref<10001x8xf32, #tpu.memory_space<hbm>>
    tpu.enqueue_indirect_dma source(%dma_start3A_17 : memref<10001x8xf32, #tpu.memory_space<hbm>>) target(%arg10 : memref<128x8xf32, #tpu.memory_space<vmem>>) offsets(%dma_start3A_14 : memref<128xi32, #tpu.memory_space<vmem>>) semaphore(%arg15 : memref<!tpu.dma_semaphore, #tpu.memory_space<semaphore_mem>>)
    %scan3A = arith.constant 0 : i32
    %scan3A_18 = arith.constant 0 : i32
    %scan3A_19 = arith.constant 10 : i32
    %scan3A_20 = arith.addi %scan3A_18, %scan3A_19 : i32
    %scan3A_21 = arith.constant 1 : i32
    scf.for %scan3A_41 = %scan3A_18 to %scan3A_20 step %scan3A_21  : i32 {
      %mul3A_42 = arith.constant 4 : i32
      %mul3A_43 = arith.muli %mul3A_42, %scan3A_41 : i32
      %add3A_44 = arith.constant 0 : i32
      %add3A_45 = arith.addi %mul3A_43, %add3A_44 : i32
      %dma_wait3A_46 = arith.constant 0 : i32
      %dma_wait3A_47 = tpu.memref_slice %arg7[%add3A_45, %dma_wait3A_46] : memref<40x128xi32, #tpu.memory_space<vmem>> -> memref<1x128xi32, #tpu.memory_space<vmem>>
      %dma_wait3A_48 = tpu.memref_squeeze %dma_wait3A_47 : memref<1x128xi32, #tpu.memory_space<vmem>> -> memref<128xi32, #tpu.memory_space<vmem>>
      %dma_wait3A_49 = arith.constant 0 : i32
      %dma_wait3A_50 = arith.constant 0 : i32
      %dma_wait3A_51 = tpu.memref_slice %arg2[%dma_wait3A_49, %dma_wait3A_50] : memref<10001x8xf32, #tpu.memory_space<hbm>> -> memref<10001x8xf32, #tpu.memory_space<hbm>>
      tpu.wait_indirect_dma semaphore(%arg14 : memref<!tpu.dma_semaphore, #tpu.memory_space<semaphore_mem>>) src(%dma_wait3A_51 : memref<10001x8xf32, #tpu.memory_space<hbm>>) dst(%arg9 : memref<128x8xf32, #tpu.memory_space<vmem>>)
      %dma_start3A_52 = arith.constant 0 : i32
      %dma_start3A_53 = tpu.memref_slice %arg8[%add3A_45, %dma_start3A_52] : memref<40x128xi32, #tpu.memory_space<vmem>> -> memref<1x128xi32, #tpu.memory_space<vmem>>
      %dma_start3A_54 = tpu.memref_squeeze %dma_start3A_53 : memref<1x128xi32, #tpu.memory_space<vmem>> -> memref<128xi32, #tpu.memory_space<vmem>>
      %dma_start3A_55 = arith.constant 0 : i32
      %dma_start3A_56 = arith.constant 0 : i32
      %dma_start3A_57 = tpu.memref_slice %arg13[%dma_start3A_55, %dma_start3A_56] : memref<10000x8xf32, #tpu.memory_space<vmem_shared>> -> memref<10000x8xf32, #tpu.memory_space<vmem_shared>>
      tpu.enqueue_indirect_dma source(%arg9 : memref<128x8xf32, #tpu.memory_space<vmem>>) target(%dma_start3A_57 : memref<10000x8xf32, #tpu.memory_space<vmem_shared>>) offsets(%dma_start3A_54 : memref<128xi32, #tpu.memory_space<vmem>>) semaphore(%arg18 : memref<!tpu.dma_semaphore, #tpu.memory_space<semaphore_mem>>) {add = true}
      %gt3A = arith.constant 0 : i32
      %gt3A_58 = arith.cmpi sgt, %scan3A_41, %gt3A : i32
      %convert_element_type3A = arith.extui %gt3A_58 : i1 to i32
      %cond3A = arith.constant 0 : i32
      %cond3A_59 = arith.cmpi ne, %convert_element_type3A, %cond3A : i32
      scf.if %cond3A_59 {
        %sub3A_153 = arith.constant 2 : i32
        %sub3A_154 = arith.subi %add3A_45, %sub3A_153 : i32
        %dma_wait3A_155 = arith.constant 0 : i32
        %dma_wait3A_156 = tpu.memref_slice %arg8[%sub3A_154, %dma_wait3A_155] : memref<40x128xi32, #tpu.memory_space<vmem>> -> memref<1x128xi32, #tpu.memory_space<vmem>>
        %dma_wait3A_157 = tpu.memref_squeeze %dma_wait3A_156 : memref<1x128xi32, #tpu.memory_space<vmem>> -> memref<128xi32, #tpu.memory_space<vmem>>
        %dma_wait3A_158 = arith.constant 0 : i32
        %dma_wait3A_159 = arith.constant 0 : i32
        %dma_wait3A_160 = tpu.memref_slice %arg13[%dma_wait3A_158, %dma_wait3A_159] : memref<10000x8xf32, #tpu.memory_space<vmem_shared>> -> memref<10000x8xf32, #tpu.memory_space<vmem_shared>>
        tpu.wait_indirect_dma semaphore(%arg20 : memref<!tpu.dma_semaphore, #tpu.memory_space<semaphore_mem>>) src(%arg11 : memref<128x8xf32, #tpu.memory_space<vmem>>) dst(%dma_wait3A_160 : memref<10000x8xf32, #tpu.memory_space<vmem_shared>>)
      } else {
      }
      %add3A_60 = arith.constant 2 : i32
      %add3A_61 = arith.addi %add3A_45, %add3A_60 : i32
      %dma_start3A_62 = arith.constant 0 : i32
      %dma_start3A_63 = tpu.memref_slice %arg7[%add3A_61, %dma_start3A_62] : memref<40x128xi32, #tpu.memory_space<vmem>> -> memref<1x128xi32, #tpu.memory_space<vmem>>
      %dma_start3A_64 = tpu.memref_squeeze %dma_start3A_63 : memref<1x128xi32, #tpu.memory_space<vmem>> -> memref<128xi32, #tpu.memory_space<vmem>>
      %dma_start3A_65 = arith.constant 0 : i32
      %dma_start3A_66 = arith.constant 0 : i32
      %dma_start3A_67 = tpu.memref_slice %arg2[%dma_start3A_65, %dma_start3A_66] : memref<10001x8xf32, #tpu.memory_space<hbm>> -> memref<10001x8xf32, #tpu.memory_space<hbm>>
      tpu.enqueue_indirect_dma source(%dma_start3A_67 : memref<10001x8xf32, #tpu.memory_space<hbm>>) target(%arg11 : memref<128x8xf32, #tpu.memory_space<vmem>>) offsets(%dma_start3A_64 : memref<128xi32, #tpu.memory_space<vmem>>) semaphore(%arg16 : memref<!tpu.dma_semaphore, #tpu.memory_space<semaphore_mem>>)
      %mul3A_68 = arith.constant 4 : i32
      %mul3A_69 = arith.muli %mul3A_68, %scan3A_41 : i32
      %add3A_70 = arith.constant 1 : i32
      %add3A_71 = arith.addi %mul3A_69, %add3A_70 : i32
      %dma_wait3A_72 = arith.constant 0 : i32
      %dma_wait3A_73 = tpu.memref_slice %arg7[%add3A_71, %dma_wait3A_72] : memref<40x128xi32, #tpu.memory_space<vmem>> -> memref<1x128xi32, #tpu.memory_space<vmem>>
      %dma_wait3A_74 = tpu.memref_squeeze %dma_wait3A_73 : memref<1x128xi32, #tpu.memory_space<vmem>> -> memref<128xi32, #tpu.memory_space<vmem>>
      %dma_wait3A_75 = arith.constant 0 : i32
      %dma_wait3A_76 = arith.constant 0 : i32
      %dma_wait3A_77 = tpu.memref_slice %arg2[%dma_wait3A_75, %dma_wait3A_76] : memref<10001x8xf32, #tpu.memory_space<hbm>> -> memref<10001x8xf32, #tpu.memory_space<hbm>>
      tpu.wait_indirect_dma semaphore(%arg15 : memref<!tpu.dma_semaphore, #tpu.memory_space<semaphore_mem>>) src(%dma_wait3A_77 : memref<10001x8xf32, #tpu.memory_space<hbm>>) dst(%arg10 : memref<128x8xf32, #tpu.memory_space<vmem>>)
      %dma_start3A_78 = arith.constant 0 : i32
      %dma_start3A_79 = tpu.memref_slice %arg8[%add3A_71, %dma_start3A_78] : memref<40x128xi32, #tpu.memory_space<vmem>> -> memref<1x128xi32, #tpu.memory_space<vmem>>
      %dma_start3A_80 = tpu.memref_squeeze %dma_start3A_79 : memref<1x128xi32, #tpu.memory_space<vmem>> -> memref<128xi32, #tpu.memory_space<vmem>>
      %dma_start3A_81 = arith.constant 0 : i32
      %dma_start3A_82 = arith.constant 0 : i32
      %dma_start3A_83 = tpu.memref_slice %arg13[%dma_start3A_81, %dma_start3A_82] : memref<10000x8xf32, #tpu.memory_space<vmem_shared>> -> memref<10000x8xf32, #tpu.memory_space<vmem_shared>>
      tpu.enqueue_indirect_dma source(%arg10 : memref<128x8xf32, #tpu.memory_space<vmem>>) target(%dma_start3A_83 : memref<10000x8xf32, #tpu.memory_space<vmem_shared>>) offsets(%dma_start3A_80 : memref<128xi32, #tpu.memory_space<vmem>>) semaphore(%arg19 : memref<!tpu.dma_semaphore, #tpu.memory_space<semaphore_mem>>) {add = true}
      %gt3A_84 = arith.constant 0 : i32
      %gt3A_85 = arith.cmpi sgt, %scan3A_41, %gt3A_84 : i32
      %convert_element_type3A_86 = arith.extui %gt3A_85 : i1 to i32
      %cond3A_87 = arith.constant 0 : i32
      %cond3A_88 = arith.cmpi ne, %convert_element_type3A_86, %cond3A_87 : i32
      scf.if %cond3A_88 {
        %sub3A_153 = arith.constant 2 : i32
        %sub3A_154 = arith.subi %add3A_71, %sub3A_153 : i32
        %dma_wait3A_155 = arith.constant 0 : i32
        %dma_wait3A_156 = tpu.memref_slice %arg8[%sub3A_154, %dma_wait3A_155] : memref<40x128xi32, #tpu.memory_space<vmem>> -> memref<1x128xi32, #tpu.memory_space<vmem>>
        %dma_wait3A_157 = tpu.memref_squeeze %dma_wait3A_156 : memref<1x128xi32, #tpu.memory_space<vmem>> -> memref<128xi32, #tpu.memory_space<vmem>>
        %dma_wait3A_158 = arith.constant 0 : i32
        %dma_wait3A_159 = arith.constant 0 : i32
        %dma_wait3A_160 = tpu.memref_slice %arg13[%dma_wait3A_158, %dma_wait3A_159] : memref<10000x8xf32, #tpu.memory_space<vmem_shared>> -> memref<10000x8xf32, #tpu.memory_space<vmem_shared>>
        tpu.wait_indirect_dma semaphore(%arg21 : memref<!tpu.dma_semaphore, #tpu.memory_space<semaphore_mem>>) src(%arg12 : memref<128x8xf32, #tpu.memory_space<vmem>>) dst(%dma_wait3A_160 : memref<10000x8xf32, #tpu.memory_space<vmem_shared>>)
      } else {
      }
      %add3A_89 = arith.constant 2 : i32
      %add3A_90 = arith.addi %add3A_71, %add3A_89 : i32
      %dma_start3A_91 = arith.constant 0 : i32
      %dma_start3A_92 = tpu.memref_slice %arg7[%add3A_90, %dma_start3A_91] : memref<40x128xi32, #tpu.memory_space<vmem>> -> memref<1x128xi32, #tpu.memory_space<vmem>>
      %dma_start3A_93 = tpu.memref_squeeze %dma_start3A_92 : memref<1x128xi32, #tpu.memory_space<vmem>> -> memref<128xi32, #tpu.memory_space<vmem>>
      %dma_start3A_94 = arith.constant 0 : i32
      %dma_start3A_95 = arith.constant 0 : i32
      %dma_start3A_96 = tpu.memref_slice %arg2[%dma_start3A_94, %dma_start3A_95] : memref<10001x8xf32, #tpu.memory_space<hbm>> -> memref<10001x8xf32, #tpu.memory_space<hbm>>
      tpu.enqueue_indirect_dma source(%dma_start3A_96 : memref<10001x8xf32, #tpu.memory_space<hbm>>) target(%arg12 : memref<128x8xf32, #tpu.memory_space<vmem>>) offsets(%dma_start3A_93 : memref<128xi32, #tpu.memory_space<vmem>>) semaphore(%arg17 : memref<!tpu.dma_semaphore, #tpu.memory_space<semaphore_mem>>)
      %mul3A_97 = arith.constant 4 : i32
      %mul3A_98 = arith.muli %mul3A_97, %scan3A_41 : i32
      %add3A_99 = arith.constant 2 : i32
      %add3A_100 = arith.addi %mul3A_98, %add3A_99 : i32
      %dma_wait3A_101 = arith.constant 0 : i32
      %dma_wait3A_102 = tpu.memref_slice %arg7[%add3A_100, %dma_wait3A_101] : memref<40x128xi32, #tpu.memory_space<vmem>> -> memref<1x128xi32, #tpu.memory_space<vmem>>
      %dma_wait3A_103 = tpu.memref_squeeze %dma_wait3A_102 : memref<1x128xi32, #tpu.memory_space<vmem>> -> memref<128xi32, #tpu.memory_space<vmem>>
      %dma_wait3A_104 = arith.constant 0 : i32
      %dma_wait3A_105 = arith.constant 0 : i32
      %dma_wait3A_106 = tpu.memref_slice %arg2[%dma_wait3A_104, %dma_wait3A_105] : memref<10001x8xf32, #tpu.memory_space<hbm>> -> memref<10001x8xf32, #tpu.memory_space<hbm>>
      tpu.wait_indirect_dma semaphore(%arg16 : memref<!tpu.dma_semaphore, #tpu.memory_space<semaphore_mem>>) src(%dma_wait3A_106 : memref<10001x8xf32, #tpu.memory_space<hbm>>) dst(%arg11 : memref<128x8xf32, #tpu.memory_space<vmem>>)
      %dma_start3A_107 = arith.constant 0 : i32
      %dma_start3A_108 = tpu.memref_slice %arg8[%add3A_100, %dma_start3A_107] : memref<40x128xi32, #tpu.memory_space<vmem>> -> memref<1x128xi32, #tpu.memory_space<vmem>>
      %dma_start3A_109 = tpu.memref_squeeze %dma_start3A_108 : memref<1x128xi32, #tpu.memory_space<vmem>> -> memref<128xi32, #tpu.memory_space<vmem>>
      %dma_start3A_110 = arith.constant 0 : i32
      %dma_start3A_111 = arith.constant 0 : i32
      %dma_start3A_112 = tpu.memref_slice %arg13[%dma_start3A_110, %dma_start3A_111] : memref<10000x8xf32, #tpu.memory_space<vmem_shared>> -> memref<10000x8xf32, #tpu.memory_space<vmem_shared>>
      tpu.enqueue_indirect_dma source(%arg11 : memref<128x8xf32, #tpu.memory_space<vmem>>) target(%dma_start3A_112 : memref<10000x8xf32, #tpu.memory_space<vmem_shared>>) offsets(%dma_start3A_109 : memref<128xi32, #tpu.memory_space<vmem>>) semaphore(%arg20 : memref<!tpu.dma_semaphore, #tpu.memory_space<semaphore_mem>>) {add = true}
      %sub3A = arith.constant 2 : i32
      %sub3A_113 = arith.subi %add3A_100, %sub3A : i32
      %dma_wait3A_114 = arith.constant 0 : i32
      %dma_wait3A_115 = tpu.memref_slice %arg8[%sub3A_113, %dma_wait3A_114] : memref<40x128xi32, #tpu.memory_space<vmem>> -> memref<1x128xi32, #tpu.memory_space<vmem>>
      %dma_wait3A_116 = tpu.memref_squeeze %dma_wait3A_115 : memref<1x128xi32, #tpu.memory_space<vmem>> -> memref<128xi32, #tpu.memory_space<vmem>>
      %dma_wait3A_117 = arith.constant 0 : i32
      %dma_wait3A_118 = arith.constant 0 : i32
      %dma_wait3A_119 = tpu.memref_slice %arg13[%dma_wait3A_117, %dma_wait3A_118] : memref<10000x8xf32, #tpu.memory_space<vmem_shared>> -> memref<10000x8xf32, #tpu.memory_space<vmem_shared>>
      tpu.wait_indirect_dma semaphore(%arg18 : memref<!tpu.dma_semaphore, #tpu.memory_space<semaphore_mem>>) src(%arg9 : memref<128x8xf32, #tpu.memory_space<vmem>>) dst(%dma_wait3A_119 : memref<10000x8xf32, #tpu.memory_space<vmem_shared>>)
      %lt3A = arith.constant 9 : i32
      %lt3A_120 = arith.cmpi slt, %scan3A_41, %lt3A : i32
      %convert_element_type3A_121 = arith.extui %lt3A_120 : i1 to i32
      %cond3A_122 = arith.constant 0 : i32
      %cond3A_123 = arith.cmpi ne, %convert_element_type3A_121, %cond3A_122 : i32
      scf.if %cond3A_123 {
        %add3A_153 = arith.constant 2 : i32
        %add3A_154 = arith.addi %add3A_100, %add3A_153 : i32
        %dma_start3A_155 = arith.constant 0 : i32
        %dma_start3A_156 = tpu.memref_slice %arg7[%add3A_154, %dma_start3A_155] : memref<40x128xi32, #tpu.memory_space<vmem>> -> memref<1x128xi32, #tpu.memory_space<vmem>>
        %dma_start3A_157 = tpu.memref_squeeze %dma_start3A_156 : memref<1x128xi32, #tpu.memory_space<vmem>> -> memref<128xi32, #tpu.memory_space<vmem>>
        %dma_start3A_158 = arith.constant 0 : i32
        %dma_start3A_159 = arith.constant 0 : i32
        %dma_start3A_160 = tpu.memref_slice %arg2[%dma_start3A_158, %dma_start3A_159] : memref<10001x8xf32, #tpu.memory_space<hbm>> -> memref<10001x8xf32, #tpu.memory_space<hbm>>
        tpu.enqueue_indirect_dma source(%dma_start3A_160 : memref<10001x8xf32, #tpu.memory_space<hbm>>) target(%arg9 : memref<128x8xf32, #tpu.memory_space<vmem>>) offsets(%dma_start3A_157 : memref<128xi32, #tpu.memory_space<vmem>>) semaphore(%arg14 : memref<!tpu.dma_semaphore, #tpu.memory_space<semaphore_mem>>)
      } else {
      }
      %mul3A_124 = arith.constant 4 : i32
      %mul3A_125 = arith.muli %mul3A_124, %scan3A_41 : i32
      %add3A_126 = arith.constant 3 : i32
      %add3A_127 = arith.addi %mul3A_125, %add3A_126 : i32
      %dma_wait3A_128 = arith.constant 0 : i32
      %dma_wait3A_129 = tpu.memref_slice %arg7[%add3A_127, %dma_wait3A_128] : memref<40x128xi32, #tpu.memory_space<vmem>> -> memref<1x128xi32, #tpu.memory_space<vmem>>
      %dma_wait3A_130 = tpu.memref_squeeze %dma_wait3A_129 : memref<1x128xi32, #tpu.memory_space<vmem>> -> memref<128xi32, #tpu.memory_space<vmem>>
      %dma_wait3A_131 = arith.constant 0 : i32
      %dma_wait3A_132 = arith.constant 0 : i32
      %dma_wait3A_133 = tpu.memref_slice %arg2[%dma_wait3A_131, %dma_wait3A_132] : memref<10001x8xf32, #tpu.memory_space<hbm>> -> memref<10001x8xf32, #tpu.memory_space<hbm>>
      tpu.wait_indirect_dma semaphore(%arg17 : memref<!tpu.dma_semaphore, #tpu.memory_space<semaphore_mem>>) src(%dma_wait3A_133 : memref<10001x8xf32, #tpu.memory_space<hbm>>) dst(%arg12 : memref<128x8xf32, #tpu.memory_space<vmem>>)
      %dma_start3A_134 = arith.constant 0 : i32
      %dma_start3A_135 = tpu.memref_slice %arg8[%add3A_127, %dma_start3A_134] : memref<40x128xi32, #tpu.memory_space<vmem>> -> memref<1x128xi32, #tpu.memory_space<vmem>>
      %dma_start3A_136 = tpu.memref_squeeze %dma_start3A_135 : memref<1x128xi32, #tpu.memory_space<vmem>> -> memref<128xi32, #tpu.memory_space<vmem>>
      %dma_start3A_137 = arith.constant 0 : i32
      %dma_start3A_138 = arith.constant 0 : i32
      %dma_start3A_139 = tpu.memref_slice %arg13[%dma_start3A_137, %dma_start3A_138] : memref<10000x8xf32, #tpu.memory_space<vmem_shared>> -> memref<10000x8xf32, #tpu.memory_space<vmem_shared>>
      tpu.enqueue_indirect_dma source(%arg12 : memref<128x8xf32, #tpu.memory_space<vmem>>) target(%dma_start3A_139 : memref<10000x8xf32, #tpu.memory_space<vmem_shared>>) offsets(%dma_start3A_136 : memref<128xi32, #tpu.memory_space<vmem>>) semaphore(%arg21 : memref<!tpu.dma_semaphore, #tpu.memory_space<semaphore_mem>>) {add = true}
      %sub3A_140 = arith.constant 2 : i32
      %sub3A_141 = arith.subi %add3A_127, %sub3A_140 : i32
      %dma_wait3A_142 = arith.constant 0 : i32
      %dma_wait3A_143 = tpu.memref_slice %arg8[%sub3A_141, %dma_wait3A_142] : memref<40x128xi32, #tpu.memory_space<vmem>> -> memref<1x128xi32, #tpu.memory_space<vmem>>
      %dma_wait3A_144 = tpu.memref_squeeze %dma_wait3A_143 : memref<1x128xi32, #tpu.memory_space<vmem>> -> memref<128xi32, #tpu.memory_space<vmem>>
      %dma_wait3A_145 = arith.constant 0 : i32
      %dma_wait3A_146 = arith.constant 0 : i32
      %dma_wait3A_147 = tpu.memref_slice %arg13[%dma_wait3A_145, %dma_wait3A_146] : memref<10000x8xf32, #tpu.memory_space<vmem_shared>> -> memref<10000x8xf32, #tpu.memory_space<vmem_shared>>
      tpu.wait_indirect_dma semaphore(%arg19 : memref<!tpu.dma_semaphore, #tpu.memory_space<semaphore_mem>>) src(%arg10 : memref<128x8xf32, #tpu.memory_space<vmem>>) dst(%dma_wait3A_147 : memref<10000x8xf32, #tpu.memory_space<vmem_shared>>)
      %lt3A_148 = arith.constant 9 : i32
      %lt3A_149 = arith.cmpi slt, %scan3A_41, %lt3A_148 : i32
      %convert_element_type3A_150 = arith.extui %lt3A_149 : i1 to i32
      %cond3A_151 = arith.constant 0 : i32
      %cond3A_152 = arith.cmpi ne, %convert_element_type3A_150, %cond3A_151 : i32
      scf.if %cond3A_152 {
        %add3A_153 = arith.constant 2 : i32
        %add3A_154 = arith.addi %add3A_127, %add3A_153 : i32
        %dma_start3A_155 = arith.constant 0 : i32
        %dma_start3A_156 = tpu.memref_slice %arg7[%add3A_154, %dma_start3A_155] : memref<40x128xi32, #tpu.memory_space<vmem>> -> memref<1x128xi32, #tpu.memory_space<vmem>>
        %dma_start3A_157 = tpu.memref_squeeze %dma_start3A_156 : memref<1x128xi32, #tpu.memory_space<vmem>> -> memref<128xi32, #tpu.memory_space<vmem>>
        %dma_start3A_158 = arith.constant 0 : i32
        %dma_start3A_159 = arith.constant 0 : i32
        %dma_start3A_160 = tpu.memref_slice %arg2[%dma_start3A_158, %dma_start3A_159] : memref<10001x8xf32, #tpu.memory_space<hbm>> -> memref<10001x8xf32, #tpu.memory_space<hbm>>
        tpu.enqueue_indirect_dma source(%dma_start3A_160 : memref<10001x8xf32, #tpu.memory_space<hbm>>) target(%arg10 : memref<128x8xf32, #tpu.memory_space<vmem>>) offsets(%dma_start3A_157 : memref<128xi32, #tpu.memory_space<vmem>>) semaphore(%arg15 : memref<!tpu.dma_semaphore, #tpu.memory_space<semaphore_mem>>)
      } else {
      }
    }
    %scan3A_22 = arith.constant 10 : i32
    %dma_wait3A = arith.constant 38 : i32
    %dma_wait3A_23 = arith.constant 0 : i32
    %dma_wait3A_24 = tpu.memref_slice %arg8[%dma_wait3A, %dma_wait3A_23] : memref<40x128xi32, #tpu.memory_space<vmem>> -> memref<1x128xi32, #tpu.memory_space<vmem>>
    %dma_wait3A_25 = tpu.memref_squeeze %dma_wait3A_24 : memref<1x128xi32, #tpu.memory_space<vmem>> -> memref<128xi32, #tpu.memory_space<vmem>>
    %dma_wait3A_26 = arith.constant 0 : i32
    %dma_wait3A_27 = arith.constant 0 : i32
    %dma_wait3A_28 = tpu.memref_slice %arg13[%dma_wait3A_26, %dma_wait3A_27] : memref<10000x8xf32, #tpu.memory_space<vmem_shared>> -> memref<10000x8xf32, #tpu.memory_space<vmem_shared>>
    tpu.wait_indirect_dma semaphore(%arg20 : memref<!tpu.dma_semaphore, #tpu.memory_space<semaphore_mem>>) src(%arg11 : memref<128x8xf32, #tpu.memory_space<vmem>>) dst(%dma_wait3A_28 : memref<10000x8xf32, #tpu.memory_space<vmem_shared>>)
    %dma_wait3A_29 = arith.constant 39 : i32
    %dma_wait3A_30 = arith.constant 0 : i32
    %dma_wait3A_31 = tpu.memref_slice %arg8[%dma_wait3A_29, %dma_wait3A_30] : memref<40x128xi32, #tpu.memory_space<vmem>> -> memref<1x128xi32, #tpu.memory_space<vmem>>
    %dma_wait3A_32 = tpu.memref_squeeze %dma_wait3A_31 : memref<1x128xi32, #tpu.memory_space<vmem>> -> memref<128xi32, #tpu.memory_space<vmem>>
    %dma_wait3A_33 = arith.constant 0 : i32
    %dma_wait3A_34 = arith.constant 0 : i32
    %dma_wait3A_35 = tpu.memref_slice %arg13[%dma_wait3A_33, %dma_wait3A_34] : memref<10000x8xf32, #tpu.memory_space<vmem_shared>> -> memref<10000x8xf32, #tpu.memory_space<vmem_shared>>
    tpu.wait_indirect_dma semaphore(%arg21 : memref<!tpu.dma_semaphore, #tpu.memory_space<semaphore_mem>>) src(%arg12 : memref<128x8xf32, #tpu.memory_space<vmem>>) dst(%dma_wait3A_35 : memref<10000x8xf32, #tpu.memory_space<vmem_shared>>)
    %barrier3A_36 = arith.constant 0 : index
    tpu.barrier barrier_id(%barrier3A_36)
    %mul3A_37 = arith.constant 625 : i32
    %mul3A_38 = arith.muli %arg1, %mul3A_37 : i32
    %mul3A_39 = arith.constant 625 : i32
    %mul3A_40 = arith.muli %arg1, %mul3A_39 : i32
    "tpu.region"() ({
      %run_scoped3A = tpu.sem_alloc : memref<!tpu.dma_semaphore, #tpu.memory_space<semaphore_mem>>
      %dma_start3A_41 = arith.constant 0 : i32
      %dma_start3A_42 = tpu.memref_slice %arg6[%arg0, %mul3A_40, %dma_start3A_41] : memref<2x10000x8xf32, #tpu.memory_space<hbm>> -> memref<1x625x8xf32, #tpu.memory_space<hbm>>
      %dma_start3A_43 = tpu.memref_squeeze %dma_start3A_42 : memref<1x625x8xf32, #tpu.memory_space<hbm>> -> memref<625x8xf32, #tpu.memory_space<hbm>>
      %dma_start3A_44 = arith.constant 0 : i32
      %dma_start3A_45 = tpu.memref_slice %arg13[%mul3A_38, %dma_start3A_44] : memref<10000x8xf32, #tpu.memory_space<vmem_shared>> -> memref<625x8xf32, #tpu.memory_space<vmem_shared>>
      tpu.enqueue_dma source(%dma_start3A_45 : memref<625x8xf32, #tpu.memory_space<vmem_shared>>) target(%dma_start3A_43 : memref<625x8xf32, #tpu.memory_space<hbm>>) target_semaphore(%run_scoped3A : memref<!tpu.dma_semaphore, #tpu.memory_space<semaphore_mem>>)
      %dma_wait3A_46 = arith.constant 0 : i32
      %dma_wait3A_47 = tpu.memref_slice %arg6[%arg0, %mul3A_40, %dma_wait3A_46] : memref<2x10000x8xf32, #tpu.memory_space<hbm>> -> memref<1x625x8xf32, #tpu.memory_space<hbm>>
      %dma_wait3A_48 = tpu.memref_squeeze %dma_wait3A_47 : memref<1x625x8xf32, #tpu.memory_space<hbm>> -> memref<625x8xf32, #tpu.memory_space<hbm>>
      %dma_wait3A_49 = arith.constant 0 : i32
      %dma_wait3A_50 = tpu.memref_slice %arg13[%mul3A_38, %dma_wait3A_49] : memref<10000x8xf32, #tpu.memory_space<vmem_shared>> -> memref<625x8xf32, #tpu.memory_space<vmem_shared>>
      tpu.wait_dma2 semaphore(%run_scoped3A : memref<!tpu.dma_semaphore, #tpu.memory_space<semaphore_mem>>) src(%dma_wait3A_50 : memref<625x8xf32, #tpu.memory_space<vmem_shared>>) dst(%dma_wait3A_48 : memref<625x8xf32, #tpu.memory_space<hbm>>)
      tpu.yield
    }) : () -> ()
    return
  }
}

module attributes {stable_mosaic.version = 14 : i64} {
  func.func @_fuse1_body(%arg0: i32, %arg1: memref<2x1000x80xbf16, #tpu.memory_space<vmem>>, %arg2: memref<1000x128xf32, #tpu.memory_space<vmem>>, %arg3: memref<128x512xf32, #tpu.memory_space<vmem>>, %arg4: memref<1x512xf32, #tpu.memory_space<vmem>>, %arg5: memref<512x8xf32, #tpu.memory_space<vmem>>, %arg6: memref<1000x8xf32, #tpu.memory_space<vmem>>, %arg7: memref<1000x8xf32, #tpu.memory_space<vmem>>) attributes {dimension_semantics = [#tpu.dimension_semantics<arbitrary>], iteration_bounds = array<i64: 10>, scalar_prefetch = 0 : i64, scratch_operands = 0 : i64, tpu.core_type = #tpu.core_type<tc>, window_params = [{transform_indices = @transform_0, window_bounds = array<i64: 2, 1000, 80>}, {transform_indices = @transform_1, window_bounds = array<i64: 1000, 128>}, {pipeline_mode = #tpu.pipeline_mode<synchronous>, transform_indices = @transform_2, window_bounds = array<i64: 128, 512>}, {pipeline_mode = #tpu.pipeline_mode<synchronous>, transform_indices = @transform_3, window_bounds = array<i64: 1, 512>}, {pipeline_mode = #tpu.pipeline_mode<synchronous>, transform_indices = @transform_4, window_bounds = array<i64: 512, 8>}, {transform_indices = @transform_5, window_bounds = array<i64: 1000, 8>}, {transform_indices = @transform_6, window_bounds = array<i64: 1000, 8>}]} {
    %get3A = arith.constant 0 : index
    %get3A_0 = arith.constant 0 : index
    %get3A_1 = arith.constant 0 : index
    %get3A_2 = vector.load %arg1[%get3A, %get3A_0, %get3A_1] : memref<2x1000x80xbf16, #tpu.memory_space<vmem>>, vector<1x1000x80xbf16>
    %get3A_3 = vector.shape_cast %get3A_2 : vector<1x1000x80xbf16> to vector<1000x80xbf16>
    %get3A_4 = arith.constant 1 : index
    %get3A_5 = arith.constant 0 : index
    %get3A_6 = arith.constant 0 : index
    %get3A_7 = vector.load %arg1[%get3A_4, %get3A_5, %get3A_6] : memref<2x1000x80xbf16, #tpu.memory_space<vmem>>, vector<1x1000x48xbf16>
    %get3A_8 = vector.shape_cast %get3A_7 : vector<1x1000x48xbf16> to vector<1000x48xbf16>
    %concatenate3A = tpu.concatenate %get3A_3, %get3A_8 in 1 : vector<1000x80xbf16>, vector<1000x48xbf16> -> vector<1000x128xbf16>
    %convert_element_type3A = arith.extf %concatenate3A : vector<1000x128xbf16> to vector<1000x128xf32>
    %get3A_9 = arith.constant 0 : index
    %get3A_10 = arith.constant 0 : index
    %get3A_11 = vector.load %arg2[%get3A_9, %get3A_10] : memref<1000x128xf32, #tpu.memory_space<vmem>>, vector<1000x128xf32>
    %add3A = arith.addf %convert_element_type3A, %get3A_11 : vector<1000x128xf32>
    %get3A_12 = arith.constant 1 : index
    %get3A_13 = arith.constant 0 : index
    %get3A_14 = arith.constant 48 : index
    %get3A_15 = vector.load %arg1[%get3A_12, %get3A_13, %get3A_14] : memref<2x1000x80xbf16, #tpu.memory_space<vmem>>, vector<1x1000x1xbf16>
    %get3A_16 = vector.shape_cast %get3A_15 : vector<1x1000x1xbf16> to vector<1000x1xbf16>
    %convert_element_type3A_17 = arith.extf %get3A_16 : vector<1000x1xbf16> to vector<1000x1xf32>
    %add3A_18 = arith.constant 1.000000e+00 : f32
    %add3A_19 = vector.broadcast %add3A_18 : f32 to vector<1000x1xf32>
    %add3A_20 = arith.addf %convert_element_type3A_17, %add3A_19 : vector<1000x1xf32>
    %div3A = vector.broadcast %add3A_20 : vector<1000x1xf32> to vector<1000x128xf32>
    %div3A_21 = arith.divf %add3A, %div3A : vector<1000x128xf32>
    %get3A_22 = arith.constant 0 : index
    %get3A_23 = arith.constant 0 : index
    %get3A_24 = vector.load %arg3[%get3A_22, %get3A_23] : memref<128x512xf32, #tpu.memory_space<vmem>>, vector<128x512xf32>
    %dot_general3A = arith.constant dense<0.000000e+00> : vector<1000x512xf32>
    %dot_general3A_25 = tpu.matmul %div3A_21, %get3A_24, %dot_general3A {dimension_numbers = #tpu.dot_dimension_numbers<[1], [0], [0], [1], [0, 0, 1, 1], [], []>, transpose_lhs_hint = false} : vector<1000x128xf32>, vector<128x512xf32>, vector<1000x512xf32> -> vector<1000x512xf32>
    %get3A_26 = arith.constant 0 : index
    %get3A_27 = arith.constant 0 : index
    %get3A_28 = vector.load %arg4[%get3A_26, %get3A_27] : memref<1x512xf32, #tpu.memory_space<vmem>>, vector<1x512xf32>
    %add3A_29 = vector.broadcast %get3A_28 : vector<1x512xf32> to vector<1000x512xf32>
    %add3A_30 = arith.addf %dot_general3A_25, %add3A_29 : vector<1000x512xf32>
    %max3A = arith.constant 0.000000e+00 : f32
    %max3A_31 = vector.broadcast %max3A : f32 to vector<1000x512xf32>
    %max3A_32 = arith.maximumf %add3A_30, %max3A_31 : vector<1000x512xf32>
    %get3A_33 = arith.constant 0 : index
    %get3A_34 = arith.constant 0 : index
    %get3A_35 = vector.load %arg5[%get3A_33, %get3A_34] : memref<512x8xf32, #tpu.memory_space<vmem>>, vector<512x8xf32>
    %dot_general3A_36 = arith.constant dense<0.000000e+00> : vector<1000x8xf32>
    %dot_general3A_37 = tpu.matmul %max3A_32, %get3A_35, %dot_general3A_36 {dimension_numbers = #tpu.dot_dimension_numbers<[1], [0], [0], [1], [0, 0, 1, 1], [], []>, transpose_lhs_hint = false} : vector<1000x512xf32>, vector<512x8xf32>, vector<1000x8xf32> -> vector<1000x8xf32>
    %swap3A = arith.constant 0 : index
    %swap3A_38 = arith.constant 0 : index
    %swap3A_39 = vector.load %arg6[%swap3A, %swap3A_38] : memref<1000x8xf32, #tpu.memory_space<vmem>>, vector<1000x8xf32>
    tpu.vector_store %arg6[%swap3A, %swap3A_38], %dot_general3A_37 {strides = array<i32>} : memref<1000x8xf32, #tpu.memory_space<vmem>>, vector<1000x8xf32>,
    %broadcast_in_dim3A = vector.shape_cast %add3A_20 : vector<1000x1xf32> to vector<1000x1xf32>
    %broadcast_in_dim3A_40 = vector.broadcast %broadcast_in_dim3A : vector<1000x1xf32> to vector<1000x8xf32>
    %swap3A_41 = arith.constant 0 : index
    %swap3A_42 = arith.constant 0 : index
    %swap3A_43 = vector.load %arg7[%swap3A_41, %swap3A_42] : memref<1000x8xf32, #tpu.memory_space<vmem>>, vector<1000x8xf32>
    tpu.vector_store %arg7[%swap3A_41, %swap3A_42], %broadcast_in_dim3A_40 {strides = array<i32>} : memref<1000x8xf32, #tpu.memory_space<vmem>>, vector<1000x8xf32>,
    return
  }
  func.func @transform_0(%arg0: i32) -> (i32, i32, i32) {
    %c0_i32 = arith.constant 0 : i32
    %c0_i32_0 = arith.constant 0 : i32
    %c0_i32_1 = arith.constant 0 : i32
    return %c0_i32, %arg0, %c0_i32_0 : i32, i32, i32
  }
  func.func @transform_1(%arg0: i32) -> (i32, i32) {
    %c0_i32 = arith.constant 0 : i32
    %c0_i32_0 = arith.constant 0 : i32
    return %arg0, %c0_i32 : i32, i32
  }
  func.func @transform_2(%arg0: i32) -> (i32, i32) {
    %c0_i32 = arith.constant 0 : i32
    %c0_i32_0 = arith.constant 0 : i32
    %c0_i32_1 = arith.constant 0 : i32
    return %c0_i32, %c0_i32_0 : i32, i32
  }
  func.func @transform_3(%arg0: i32) -> (i32, i32) {
    %c0_i32 = arith.constant 0 : i32
    %c0_i32_0 = arith.constant 0 : i32
    %c0_i32_1 = arith.constant 0 : i32
    return %c0_i32, %c0_i32_0 : i32, i32
  }
  func.func @transform_4(%arg0: i32) -> (i32, i32) {
    %c0_i32 = arith.constant 0 : i32
    %c0_i32_0 = arith.constant 0 : i32
    %c0_i32_1 = arith.constant 0 : i32
    return %c0_i32, %c0_i32_0 : i32, i32
  }
  func.func @transform_5(%arg0: i32) -> (i32, i32) {
    %c0_i32 = arith.constant 0 : i32
    %c0_i32_0 = arith.constant 0 : i32
    return %arg0, %c0_i32 : i32, i32
  }
  func.func @transform_6(%arg0: i32) -> (i32, i32) {
    %c0_i32 = arith.constant 0 : i32
    %c0_i32_0 = arith.constant 0 : i32
    return %arg0, %c0_i32 : i32, i32
  }
}

module attributes {stable_mosaic.version = 14 : i64} {
  func.func @_fuse2_body(%arg0: i32, %arg1: memref<2x1000x8xf32, #tpu.memory_space<vmem>>, %arg2: memref<1000x8xf32, #tpu.memory_space<vmem>>, %arg3: memref<1000x8xf32, #tpu.memory_space<vmem>>, %arg4: memref<1x8xf32, #tpu.memory_space<vmem>>, %arg5: memref<1000x4xf32, #tpu.memory_space<vmem>>) attributes {dimension_semantics = [#tpu.dimension_semantics<arbitrary>], iteration_bounds = array<i64: 10>, scalar_prefetch = 0 : i64, scratch_operands = 0 : i64, tpu.core_type = #tpu.core_type<tc>, window_params = [{transform_indices = @transform_0, window_bounds = array<i64: 2, 1000, 8>}, {transform_indices = @transform_1, window_bounds = array<i64: 1000, 8>}, {transform_indices = @transform_2, window_bounds = array<i64: 1000, 8>}, {pipeline_mode = #tpu.pipeline_mode<synchronous>, transform_indices = @transform_3, window_bounds = array<i64: 1, 8>}, {transform_indices = @transform_4, window_bounds = array<i64: 1000, 4>}]} {
    %get3A = arith.constant 0 : index
    %get3A_0 = arith.constant 0 : index
    %get3A_1 = arith.constant 0 : index
    %get3A_2 = vector.load %arg1[%get3A, %get3A_0, %get3A_1] : memref<2x1000x8xf32, #tpu.memory_space<vmem>>, vector<1x1000x8xf32>
    %get3A_3 = vector.shape_cast %get3A_2 : vector<1x1000x8xf32> to vector<1000x8xf32>
    %get3A_4 = arith.constant 1 : index
    %get3A_5 = arith.constant 0 : index
    %get3A_6 = arith.constant 0 : index
    %get3A_7 = vector.load %arg1[%get3A_4, %get3A_5, %get3A_6] : memref<2x1000x8xf32, #tpu.memory_space<vmem>>, vector<1x1000x8xf32>
    %get3A_8 = vector.shape_cast %get3A_7 : vector<1x1000x8xf32> to vector<1000x8xf32>
    %add3A = arith.addf %get3A_3, %get3A_8 : vector<1000x8xf32>
    %get3A_9 = arith.constant 0 : index
    %get3A_10 = arith.constant 0 : index
    %get3A_11 = vector.load %arg2[%get3A_9, %get3A_10] : memref<1000x8xf32, #tpu.memory_space<vmem>>, vector<1000x8xf32>
    %add3A_12 = arith.addf %add3A, %get3A_11 : vector<1000x8xf32>
    %get3A_13 = arith.constant 0 : index
    %get3A_14 = arith.constant 0 : index
    %get3A_15 = vector.load %arg3[%get3A_13, %get3A_14] : memref<1000x8xf32, #tpu.memory_space<vmem>>, vector<1000x8xf32>
    %div3A = arith.divf %add3A_12, %get3A_15 : vector<1000x8xf32>
    %get3A_16 = arith.constant 0 : index
    %get3A_17 = arith.constant 0 : index
    %get3A_18 = vector.load %arg4[%get3A_16, %get3A_17] : memref<1x8xf32, #tpu.memory_space<vmem>>, vector<1x8xf32>
    %add3A_19 = vector.broadcast %get3A_18 : vector<1x8xf32> to vector<1000x8xf32>
    %add3A_20 = arith.addf %div3A, %add3A_19 : vector<1000x8xf32>
    %max3A = arith.constant 0.000000e+00 : f32
    %max3A_21 = vector.broadcast %max3A : f32 to vector<1000x8xf32>
    %max3A_22 = arith.maximumf %add3A_20, %max3A_21 : vector<1000x8xf32>
    %slice3A = vector.extract_strided_slice %max3A_22 {offsets = [0, 0], sizes = [1000, 4], strides = [1, 1]} : vector<1000x8xf32> to vector<1000x4xf32>
    %swap3A = arith.constant 0 : index
    %swap3A_23 = arith.constant 0 : index
    %swap3A_24 = vector.load %arg5[%swap3A, %swap3A_23] : memref<1000x4xf32, #tpu.memory_space<vmem>>, vector<1000x4xf32>
    tpu.vector_store %arg5[%swap3A, %swap3A_23], %slice3A {strides = array<i32>} : memref<1000x4xf32, #tpu.memory_space<vmem>>, vector<1000x4xf32>,
    return
  }
  func.func @transform_0(%arg0: i32) -> (i32, i32, i32) {
    %c0_i32 = arith.constant 0 : i32
    %c0_i32_0 = arith.constant 0 : i32
    %c0_i32_1 = arith.constant 0 : i32
    return %c0_i32, %arg0, %c0_i32_0 : i32, i32, i32
  }
  func.func @transform_1(%arg0: i32) -> (i32, i32) {
    %c0_i32 = arith.constant 0 : i32
    %c0_i32_0 = arith.constant 0 : i32
    return %arg0, %c0_i32 : i32, i32
  }
  func.func @transform_2(%arg0: i32) -> (i32, i32) {
    %c0_i32 = arith.constant 0 : i32
    %c0_i32_0 = arith.constant 0 : i32
    return %arg0, %c0_i32 : i32, i32
  }
  func.func @transform_3(%arg0: i32) -> (i32, i32) {
    %c0_i32 = arith.constant 0 : i32
    %c0_i32_0 = arith.constant 0 : i32
    %c0_i32_1 = arith.constant 0 : i32
    return %c0_i32, %c0_i32_0 : i32, i32
  }
  func.func @transform_4(%arg0: i32) -> (i32, i32) {
    %c0_i32 = arith.constant 0 : i32
    %c0_i32_0 = arith.constant 0 : i32
    return %arg0, %c0_i32 : i32, i32
  }
}

</mosaic_0001>

<sc_bundles>
// kernel: kernel.6.cloned.1.call-start
scs
__scs_entry_jumppad:
0x0: {  	(pc) =	sbr.rel $0x88, $3  }
0x1: {  	(tag) =	ssettag $0x0;
	lr =	simm.s32 $0x1  }
0x2: {  	[smem:$0x3F9B] =	sst lr;
	_ =	strace $0xD0000000  }
0x3: {  	_ = 	snop  }
0x4: {  	_ = 	snop  }
0x5: {  	_ = 	snop  }
0x6: {  	_ = 	snop  }
0x7: {  	_ = 	snop  }
__scs_overlays_trampoline_lowered:
0x8: {  	[smem:$0x3FAA] =	sst s0  }
0x9: {  	[smem:$0x3FAB] =	sst s1  }
0xa: {  	[smem:$0x3FAC] =	sst s2  }
0xb: {  	[smem:$0x3FAD] =	sst s3  }
0xc: {  	[smem:$0x3FAE] =	sst s4  }
0xd: {  	[smem:$0x3FAF] =	sst s5  }
0xe: {  	[smem:$0x3FB0] =	sst s6  }
0xf: {  	[smem:$0x3FB1] =	sst s7  }
0x10: {  	[smem:$0x3FB2] =	sst s8  }
0x11: {  	[smem:$0x3FB3] =	sst s9;
	s0 =	simm.s32 @!p0 $0x0  }
0x12: {  	s1 =	sld [smem:$0x3F99];
	s0 =	simm.s32 @p0 $0x1  }
0x13: {  	[smem:$0x3FB4] =	sst s0;
	s0 =	simm.s32 @!p1 $0x0  }
0x14: {  	s2 =	sld [smem:$0x3F98];
	s0 =	simm.s32 @p1 $0x1  }
0x15: {  	[smem:$0x3FB5] =	sst s0;
	s0 =	simm.s32 @!p2 $0x0  }
0x16: {  	s3 =	sld [smem:$0x3FDB];
	s0 =	simm.s32 @p2 $0x1  }
0x17: {  	s4 =	simm.s32 $0x1BF5;
	[smem:$0x3FB7] =	sst s0  }
0x18: {  	s0 =	sld [smem:$0x3F9A];
	_ =	swait.ge [sflag:s4], $0x0  }
0x19: {  	s7 =	sld [smem:$0x3F9B]  }
0x1a: {  	s8 =	sadd.s32 $0xFFFFE003, lr  }
0x1b: {  	s9 =	sadd.s32 $0xFFFFFEF7, lr;
	s5 =	simm.s32 $0xFFFFFFFF;
	p2 =	slt.u32 s8, $0xFFFFF086  }
0x1c: {  	p1 =	slt.u32 s9, $0xF7A;
	s5 =	simm.s32 @!p2 $0x0  }
0x1d: {  	s5 =	simm.s32 @p1 $0x1;
	p0 =	seq.s32 s7, s2  }
0x1e: {  	s7 =	smul.u32 @!p0 $0xF7A, s2;
	p2 =	seq.s32 @!p0 s5, $0x0  }
0x1f: {  	s9 =	smul.u32 $0xF7A, s1;
	s8 =	simm.s32 @!p0 $0x1BF5;
	p2 =	por !p2, p0  }
0x20: {  	[sflag:s8] =	ssyncset.s32 @!p0 $0xFFFFF086;
	s6 =	sadd.s32 @!p0 s3, s7;
	s7 =	simm.s32 @!p0 $0x108  }
0x21: {  	s3 =	sadd.s32 s3, s9;
	s6 =	sadd.s32 @!p0 $0x88, s6;
	s7 =	simm.s32 @p2 $0x1082  }
0x22: {  	[simem:s7], [sflag:s8] =	dma.local @!p0 [hbm:s6], $0xF7A  }
0x23: {  	s9 =	sor.u32 $0xD0000000, s2;
	s6 =	simm.s32 $0x108;
	_ =	swait.ge @!p0 [sflag:s8], $0x0  }
0x24: {  	s3 =	sadd.s32 $0x88, s3;
	s6 =	simm.s32 @!p1 $0x1082;
	[sflag:s4] =	ssyncset.s32 $0xFFFFF086  }
0x25: {  	[simem:s6], [sflag:s4] =	dma.local [hbm:s3], $0xF7A  }
0x26: {  	[smem:$0x3F9B] =	sst s1;
	(tag) =	ssettag s2;
	_ =	strace s9  }
0x27: {  	s1 =	sld [smem:$0x3FAB]  }
0x28: {  	s2 =	sld [smem:$0x3FAC]  }
0x29: {  	s4 =	sld [smem:$0x3FAE]  }
0x2a: {  	p0 =	seq.s32 s5, $0x0;
	s5 =	sld [smem:$0x3FAF]  }
0x2b: {  	s6 =	sld [smem:$0x3FB0]  }
0x2c: {  	s7 =	sld [smem:$0x3FB1]  }
0x2d: {  	s3 =	simm.s32 $0x108;
	s8 =	sld [smem:$0x3FB2]  }
0x2e: {  	s3 =	simm.s32 @!p0 $0x1082;
	s9 =	sld [smem:$0x3FB3]  }
0x2f: {  	lr =	sadd.s32 s0, s3;
	s0 =	sld [smem:$0x3FAA]  }
0x30: {  	s3 =	sld [smem:$0x3FAD]  }
0x31: {  	[smem:$0x3FB6] =	sst s10  }
0x32: {  	s10 =	sld [smem:$0x3FB4];
	_ =	sdelay $0x3  }
0x33: {  	p0 =	seq.s32 s10, $0x1;
	s10 =	sld [smem:$0x3FB6];
	_ =	sdelay $0x3  }
0x34: {  	[smem:$0x3FB6] =	sst s10  }
0x35: {  	s10 =	sld [smem:$0x3FB5];
	_ =	sdelay $0x3  }
0x36: {  	p1 =	seq.s32 s10, $0x1;
	s10 =	sld [smem:$0x3FB6];
	_ =	sdelay $0x3  }
0x37: {  	[smem:$0x3FB6] =	sst s10  }
0x38: {  	s10 =	sld [smem:$0x3FB7]  }
0x39: {  	_ = 	snop;
	(pc) =	sbr.ind lr, $3  }
0x3a: {  	_ = 	snop  }
0x3b: {  	_ = 	snop  }
0x3c: {  	p2 =	seq.s32 s10, $0x1;
	s10 =	sld [smem:$0x3FB6]  }
0x3d: {  	_ =	shalt  }
0x3e: {  	_ =	shalt  }
0x3f: {  	_ =	shalt  }
0x40: {  	_ =	shalt  }
0x41: {  	_ =	shalt  }
0x42: {  	_ =	shalt  }
0x43: {  	_ =	shalt  }
0x44: {  	_ =	shalt  }
0x45: {  	_ =	shalt  }
0x46: {  	_ =	shalt  }
0x47: {  	_ =	shalt  }
0x48: {  	_ =	shalt  }
0x49: {  	_ =	shalt  }
0x4a: {  	_ =	shalt  }
0x4b: {  	_ =	shalt  }
0x4c: {  	_ =	shalt  }
0x4d: {  	_ =	shalt  }
0x4e: {  	_ =	shalt  }
0x4f: {  	_ =	shalt  }
0x50: {  	_ =	shalt  }
0x51: {  	_ =	shalt  }
0x52: {  	_ =	shalt  }
0x53: {  	_ =	shalt  }
0x54: {  	_ =	shalt  }
0x55: {  	_ =	shalt  }
0x56: {  	_ =	shalt  }
0x57: {  	_ =	shalt  }
0x58: {  	_ =	shalt  }
0x59: {  	_ =	shalt  }
0x5a: {  	_ =	shalt  }
0x5b: {  	_ =	shalt  }
0x5c: {  	_ =	shalt  }
0x5d: {  	_ =	shalt  }
0x5e: {  	_ =	shalt  }
0x5f: {  	_ =	shalt  }
0x60: {  	_ =	shalt  }
0x61: {  	_ =	shalt  }
0x62: {  	_ =	shalt  }
0x63: {  	_ =	shalt  }
0x64: {  	_ =	shalt  }
0x65: {  	_ =	shalt  }
0x66: {  	_ =	shalt  }
0x67: {  	_ =	shalt  }
0x68: {  	_ =	shalt  }
0x69: {  	_ =	shalt  }
0x6a: {  	_ =	shalt  }
0x6b: {  	_ =	shalt  }
0x6c: {  	_ =	shalt  }
0x6d: {  	_ =	shalt  }
0x6e: {  	_ =	shalt  }
0x6f: {  	_ =	shalt  }
0x70: {  	_ =	shalt  }
0x71: {  	_ =	shalt  }
0x72: {  	_ =	shalt  }
0x73: {  	_ =	shalt  }
0x74: {  	_ =	shalt  }
0x75: {  	_ =	shalt  }
0x76: {  	_ =	shalt  }
0x77: {  	_ =	shalt  }
0x78: {  	_ =	shalt  }
0x79: {  	_ =	shalt  }
0x7a: {  	_ =	shalt  }
0x7b: {  	_ =	shalt  }
0x7c: {  	_ =	shalt  }
0x7d: {  	_ =	shalt  }
0x7e: {  	_ =	shalt  }
0x7f: {  	_ =	shalt  }
0x80: {  	_ =	shalt  }
0x81: {  	_ =	shalt  }
0x82: {  	_ =	shalt  }
0x83: {  	_ =	shalt  }
0x84: {  	_ =	shalt  }
0x85: {  	_ =	shalt  }
0x86: {  	_ =	shalt  }
0x87: {  	_ =	shalt  }
.Lfunc_end0:
.L_simem_size_0:
called_computation_lowered:
.L_overlay_start_0:
0x88: {  	s2 =	sld [smem:$0x3FD9]  }
0x89: {  	s3 =	sld [smem:$0x3FFE];
	_ =	sdelay $0x1  }
0x8a: {  	s1 =	srdreg.scid  }
0x8b: {  	s0 =	sand.u32 $0x1, s1  }
0x8c: {  	s17 =	sshll.u32 s0, $0xA;
	s2 =	sadd.s32 s3, s2  }
0x8d: {  	s2 =	sadd.s32 s2, s17  }
0x8e: {  	[smem:$0x3FC2] =	sst s2  }
0x8f: {  	_ = 	snop  }
0x90: {  	s2 =	sld [smem:$0x3FD0];
	(tm) =	ssettm $0x1  }
0x91: {  	s18 =	sld [smem:$0x3FFB];
	_ =	sdelay $0x3  }
0x92: {  	_ =	strace s18  }
0x93: {  	s3 =	sld [smem:$0x3FFC];
	_ =	sdelay $0x3  }
0x94: {  	_ =	strace s3  }
0x95: {  	s3 =	sld [smem:$0x3FFD];
	_ =	sdelay $0x3  }
0x96: {  	_ =	strace s3  }
0x97: {  	_ =	strace $0x8FFFFFFF  }
0x98: {  	s19 =	sld [smem:$0x3FDB];
	_ =	sdelay $0x1  }
0x99: {  	s4 =	simm.s32 $_scs_section_size  }
0x9a: {  	s5 =	simm.s32 $_size__tile_overlayer_lowered;
	s6 =	simm.s32 $_tile_overlayer_lowered  }
0x9b: {  	s22 =	simm.s32 $0x1BFF;
	s21 =	sshll.u32 s6, $0x1;
	s3 =	sadd.s32 s4, s19  }
0x9c: {  	s7 =	simm.s32 $0x0;
	s20 =	sshll.u32 s5, $0x1;
	s5 =	sadd.s32 s21, s3  }
0x9d: {  	[timem:s7], [sflag:s22] =	dma.local [hbm:s5], s20  }
0x9e: {  	_ =	swait.ge [sflag:s22], s20  }
0x9f: {  	s4 =	ssub.s32 $0x0, s20;
	[sflag:s22] =	ssyncset.done $0x0  }
0xa0: {  	[sflag:s22] =	ssyncadd.s32 s4;
	_ =	sdelay $0x1  }
0xa1: {  	s23 =	simm.s32 $0x1B8B  }
0xa2: {  	_ =	swait.ge [sflag:s23], $0x1  }
0xa3: {  	[sflag:s23] =	ssyncset.done $0x0  }
0xa4: {  	s25 =	simm.s32 $0x1B8E;
	s24 =	sld [smem:$0x3FFE];
	[sflag:s23] =	ssyncadd.s32 $0xFFFFFFFF  }
0xa5: {  	s26 =	simm.s32 $execute0_lowered;
	[smem:$0x3FD2] =	sst s25  }
0xa6: {  	s5 =	sshll.u32 s26, $0x1;
	_ =	strace $0x80000046;
	[dreg:$0x1] =	wrdreg $0xFFFFFFFF  }
0xa7: {  	s28 =	simm.s32 $_size_execute0_lowered;
	s3 =	sadd.s32 s3, s5;
	[dreg:$0x0] =	wrdreg $0x0  }
0xa8: {  	s5 =	sshll.u32 s28, $0x1;
	[dreg:$0x2] =	wrdreg s3  }
0xa9: {  	[dreg:$0x3] =	wrdreg s5  }
0xaa: {  	[dreg:$0x4] =	wrdreg $0xC0  }
0xab: {  	_ =	task [dreg:s7], $0x5FFFF  }
0xac: {  	[dreg:$0x1] =	wrdreg $0xFFFFFFFF  }
0xad: {  	[dreg:$0x0] =	wrdreg $0x60  }
0xae: {  	[dreg:$0x2] =	wrdreg s24  }
0xaf: {  	[dreg:$0x3] =	wrdreg s2  }
0xb0: {  	[dreg:$0x4] =	wrdreg $0xA0000  }
0xb1: {  	[dreg:$0x5] =	wrdreg $0x9  }
0xb2: {  	_ =	task.clear_ibuf [dreg:s7], $0x6FFFF;
	_ =	strace $0x90000046  }
0xb3: {  	s29 =	simm.s32 $0x9;
	_ =	strace $0x80000048  }
0xb4: {  	_ =	swait.ge [sflag:s29], $0x1  }
0xb5: {  	[sflag:s29] =	ssyncadd.s32 $0xFFFFFFFF  }
0xb6: {  	_ =	strace $0x90000048  }
0xb7: {  	_ =	sfence  }
0xb8: {  	s30 =	sld [smem:$0x0];
	_ =	sdelay $0x2  }
0xb9: {  	s31 =	sshll.u32 s1, $0xD;
	s1 =	sshrl.u32 s1, $0x2  }
0xba: {  	s3 =	sand.u32 $0x4000, s31;
	s1 =	sadd.s32 s1, s30  }
0xbb: {  	s0 =	sor.u32 s3, s0;
	s1 =	sshll.u32 s1, $0x11  }
0xbc: {  	s0 =	sor.u32 s1, s0  }
0xbd: {  	s0 =	sadd.s32 $0x8F2B, s0  }
0xbe: {  	[sflag:s0] =	ssyncadd.remote.s32 $0x1  }
0xbf: {  	_ =	sfence.sel $0xFFFF  }
0xc0: {  	[dreg:$0x0] =	wrdreg $0xFFFFFFFF;
	(pc) =	sbr.abs _section_cstart, $3  }
0xc1: {  	[dreg:$0x1] =	wrdreg $0xFFFFFFFF  }
0xc2: {  	_ =	task.clear_ibuf [dreg:s7], $0x2FFFF;
	_ =	strace $0x9FFFFFFF  }
0xc3: {  	(tm) =	ssettm $0x7FFFFFFF  }
tec
execute0_lowered:
.L_overlay_start_1:
0x0: {  	(tag) =	ssettag $0x1  }
0x1: {  	s0 =	rddreg [dreg:$0x0];
	s1 =	srdreg.scid  }
0x2: {  	s9 =	stileid.u32;
	s3 =	rddreg [dreg:$0x2]  }
0x3: {  	s4 =	simm.s32 $0x0;
	s12 =	simm.s32 $0x9;
	s13 =	simm.s32 $0x2800  }
0x4: {  	s14 =	simm.s32 $0x80;
	s15 =	simm.s32 $0x5000;
	s16 =	simm.s32 $0x6400  }
0x5: {  	s17 =	simm.s32 $0x1;
	s19 =	simm.s32 $0x7800;
	s20 =	simm.s32 $0x2  }
0x6: {  	s23 =	simm.s32 $0x8C00;
	s24 =	simm.s32 $0x3;
	s2 =	smul.u32 $0x2800, s9  }
0x7: {  	s29 =	simm.s32 $0x4;
	s1 =	sand.u32 $0x1, s1;
	s6 =	smul.u32 $0xC350, s9  }
0x8: {  	s30 =	simm.s32 $0x2980;
	s31 =	simm.s32 $0x6;
	s5 =	smul.u32 $0x28000, s1  }
0x9: {  	s18 =	simm.s32 $0x0;
	[smem:$0x7FF] =	sst s4;
	s7 =	smul.u32 $0xC3500, s1  }
0xa: {  	s28 =	sshll.u32 s9, $0x6;
	_ =	strace $0x80000047;
	s1 =	ssub.s32 $0x2, s1  }
0xb: {  	s26 =	sshrl.u32 s1, $0x1;
	s5 =	sadd.s32 s2, s5;
	s7 =	sadd.s32 s6, s7  }
0xc: {  	s2 =	sshrl.u32 s2, $0x3;
	s1 =	ssub.s32 s1, s26;
	s6 =	sshrl.u32 s6, $0x1  }
0xd: {  	s26 =	simm.s32 $0x5;
	s8 =	sshrl.u32 s5, $0x3;
	s5 =	sadd.s32 $0xB000, s0  }
.Ltmp0:
0xe: {  	s7 =	sshrl.u32 s7, $0x4;
	s2 =	sadd.s32 s2, s0;
	(pc) =	sbr.rel .LBB2_1-.Ltmp0, $4  }
0xf: {  	s11 =	sadd.s32 s6, s3;
	s6 =	sor.u32 $0x1C09, s28;
	s10 =	smax.u32 s1, $0x1  }
0x10: {  	s1 =	simm.s32 $0x280;
	s8 =	sadd.s32 s8, s0;
	s0 =	sadd.s32 s7, s0  }
0x11: {  	s11 =	sshrl.u32 s11, $0x3;
	s7 =	sadd.s32 $0x23800, s8;
	s8 =	sadd.s32 $0x6000, s2  }
0x12: {  	s9 =	sadd.s32 $0x2D800, s0;
	s0 =	simm.s32 $0x7;
	s2 =	simm.s32 $0x8  }
.LBB2_4:
0x13: {  	_ =	swait.ge [sflag:s29], $0x1400  }
0x14: {  	[sflag:s29] =	ssyncset.done $0x0  }
0x15: {  	[sflag:s29] =	ssyncadd.s32 $0xFFFFEC00  }
0x16: {  	[spmem:s3] =	stream.indirect.scatter.add.bf16 [tilespmem:s23], [sflag:$0x8], $0x28, s25, s14, $0xb8;
	[tilespmem:$0x101A8] =	vst v63  }
0x17: {  	_ =	swait.ge [sflag:s31], $0x1400  }
0x18: {  	[sflag:s31] =	ssyncset.done $0x0  }
0x19: {  	[sflag:s31] =	ssyncadd.s32 $0xFFFFEC00  }
0x1a: {  	_ =	swait.ge [sflag:s0], $0x1400  }
0x1b: {  	[sflag:s0] =	ssyncset.done $0x0  }
0x1c: {  	[sflag:s0] =	ssyncadd.s32 $0xFFFFEC00  }
0x1d: {  	_ =	swait.ge [sflag:s2], $0x1400  }
0x1e: {  	s18 =	sadd.s32 $0x1, s18;
	[sflag:s2] =	ssyncset.done $0x0  }
0x1f: {  	p0 =	sne.s32 s18, s10;
	[sflag:s2] =	ssyncadd.s32 $0xFFFFEC00  }
.Ltmp1:
0x20: {  	[bflag:$0x0] =	sbarrier.arrive $0xFFFF;
	(pc) =	sbr.rel @!p0 .LBB2_5-.Ltmp1, $4  }
0x21: {  	[hbm:s9], [sflag:s6] =	dma.local [spmem:s11], $0xC35  }
0x22: {  	_ =	swait.ge [sflag:s12], $0xC35  }
0x23: {  	[sflag:s12] =	ssyncset.done $0x0  }
0x24: {  	[sflag:s12] =	ssyncadd.s32 $0xFFFFF3CB  }
.LBB2_1:
0x25: {  	s21 =	rddreg [dreg:$0x1]  }
0x26: {  	[spmem:s11], [sflag:s6] =	dma.local [hbm:s21], $0xC35  }
0x27: {  	_ =	swait.ge [sflag:s12], $0xC35  }
0x28: {  	[sflag:s12] =	ssyncset.done $0x0  }
0x29: {  	[sflag:s12] =	ssyncadd.s32 $0xFFFFF3CB  }
0x2a: {  	[tilespmem:s4], [sflag:$0x9] =	stream.linear.gather [hbm4b:s7+s4], $0x2800, $0x38;
	[tilespmem:$0x101A8] =	vst v63  }
0x2b: {  	_ =	swait.ge [sflag:s12], $0x2800  }
0x2c: {  	[sflag:s12] =	ssyncset.done $0x0  }
0x2d: {  	[sflag:s12] =	ssyncadd.s32 $0xFFFFD800  }
0x2e: {  	[tilespmem:s13], [sflag:$0x9] =	stream.linear.gather [hbm4b:s8+s4], $0x2800, $0x38;
	[tilespmem:$0x101A8] =	vst v63  }
0x2f: {  	_ =	swait.ge [sflag:s12], $0x2800  }
0x30: {  	[sflag:s12] =	ssyncset.done $0x0  }
0x31: {  	[sflag:s12] =	ssyncadd.s32 $0xFFFFD800  }
0x32: {  	[bflag:$0x0] =	sbarrier.arrive $0xFFFF  }
0x33: {  	[tilespmem:s15], [sflag:$0x1] =	stream.indirect.gather [hbm4b:s5+s14], $0x28, s4, s14, $0xb8;
	[tilespmem:$0x101A8] =	vst v63  }
0x34: {  	_ = 	snop  }
0x35: {  	[tilespmem:s16], [sflag:$0x2] =	stream.indirect.gather [hbm4b:s5+s14], $0x28, s14, s14, $0xb8;
	[tilespmem:$0x101A8] =	vst v63  }
0x36: {  	_ =	swait.ge [sflag:s17], $0x1400  }
0x37: {  	[sflag:s17] =	ssyncset.done $0x0  }
0x38: {  	[sflag:s17] =	ssyncadd.s32 $0xFFFFEC00  }
0x39: {  	[spmem:s3] =	stream.indirect.scatter.add.bf16 [tilespmem:s15], [sflag:$0x5], $0x28, s13, s14, $0xb8;
	[tilespmem:$0x101A8] =	vst v63  }
0x3a: {  	s25 =	simm.s32 $0x100  }
0x3b: {  	[tilespmem:s19], [sflag:$0x3] =	stream.indirect.gather [hbm4b:s5+s14], $0x28, s25, s14, $0xb8;
	[tilespmem:$0x101A8] =	vst v63  }
0x3c: {  	_ =	swait.ge [sflag:s20], $0x1400  }
0x3d: {  	[sflag:s20] =	ssyncset.done $0x0  }
0x3e: {  	s28 =	simm.s32 $0x2880;
	[sflag:s20] =	ssyncadd.s32 $0xFFFFEC00  }
0x3f: {  	[spmem:s3] =	stream.indirect.scatter.add.bf16 [tilespmem:s16], [sflag:$0x6], $0x28, s28, s14, $0xb8;
	[tilespmem:$0x101A8] =	vst v63  }
0x40: {  	s22 =	simm.s32 $0x180  }
0x41: {  	[tilespmem:s23], [sflag:$0x4] =	stream.indirect.gather [hbm4b:s5+s14], $0x28, s22, s14, $0xb8;
	[tilespmem:$0x101A8] =	vst v63  }
0x42: {  	_ =	swait.ge [sflag:s24], $0x1400  }
0x43: {  	[sflag:s24] =	ssyncset.done $0x0  }
0x44: {  	s25 =	simm.s32 $0x2900;
	[sflag:s24] =	ssyncadd.s32 $0xFFFFEC00  }
0x45: {  	[spmem:s3] =	stream.indirect.scatter.add.bf16 [tilespmem:s19], [sflag:$0x7], $0x28, s25, s14, $0xb8;
	[tilespmem:$0x101A8] =	vst v63  }
0x46: {  	_ =	swait.ge [sflag:s26], $0x1400  }
0x47: {  	[sflag:s26] =	ssyncset.done $0x0  }
0x48: {  	s28 =	simm.s32 $0x200;
	[sflag:s26] =	ssyncadd.s32 $0xFFFFEC00  }
0x49: {  	[tilespmem:s15], [sflag:$0x1] =	stream.indirect.gather [hbm4b:s5+s14], $0x28, s28, s14, $0xb8;
	[tilespmem:$0x101A8] =	vst v63  }
0x4a: {  	_ =	swait.ge [sflag:s29], $0x1400  }
0x4b: {  	[sflag:s29] =	ssyncset.done $0x0  }
0x4c: {  	[sflag:s29] =	ssyncadd.s32 $0xFFFFEC00  }
0x4d: {  	[spmem:s3] =	stream.indirect.scatter.add.bf16 [tilespmem:s23], [sflag:$0x8], $0x28, s30, s14, $0xb8;
	[tilespmem:$0x101A8] =	vst v63  }
0x4e: {  	_ =	swait.ge [sflag:s31], $0x1400  }
0x4f: {  	[sflag:s31] =	ssyncset.done $0x0  }
0x50: {  	s21 =	simm.s32 $0x0;
	[sflag:s31] =	ssyncadd.s32 $0xFFFFEC00  }
0x51: {  	[tilespmem:s16], [sflag:$0x2] =	stream.indirect.gather [hbm4b:s5+s14], $0x28, s1, s14, $0xb8;
	[tilespmem:$0x101A8] =	vst v63  }
.LBB2_2:
0x52: {  	_ =	swait.ge [sflag:s17], $0x1400  }
0x53: {  	s22 =	sshra.s32 s21, $0x2;
	[sflag:s17] =	ssyncset.done $0x0  }
0x54: {  	s25 =	sadd.s32 $0x2A00, s22;
	[sflag:s17] =	ssyncadd.s32 $0xFFFFEC00  }
0x55: {  	[spmem:s3] =	stream.indirect.scatter.add.bf16 [tilespmem:s15], [sflag:$0x5], $0x28, s25, s14, $0xb8;
	[tilespmem:$0x101A8] =	vst v63  }
0x56: {  	_ =	swait.ge [sflag:s0], $0x1400  }
0x57: {  	[sflag:s0] =	ssyncset.done $0x0  }
0x58: {  	s28 =	sadd.s32 $0x300, s22;
	[sflag:s0] =	ssyncadd.s32 $0xFFFFEC00  }
0x59: {  	[tilespmem:s19], [sflag:$0x3] =	stream.indirect.gather [hbm4b:s5+s14], $0x28, s28, s14, $0xb8;
	[tilespmem:$0x101A8] =	vst v63  }
0x5a: {  	_ =	swait.ge [sflag:s20], $0x1400  }
0x5b: {  	[sflag:s20] =	ssyncset.done $0x0  }
0x5c: {  	s28 =	sadd.s32 $0x2A80, s22;
	[sflag:s20] =	ssyncadd.s32 $0xFFFFEC00  }
0x5d: {  	[spmem:s3] =	stream.indirect.scatter.add.bf16 [tilespmem:s16], [sflag:$0x6], $0x28, s28, s14, $0xb8;
	[tilespmem:$0x101A8] =	vst v63  }
0x5e: {  	_ =	swait.ge [sflag:s2], $0x1400  }
0x5f: {  	[sflag:s2] =	ssyncset.done $0x0  }
0x60: {  	s28 =	sadd.s32 $0x380, s22;
	[sflag:s2] =	ssyncadd.s32 $0xFFFFEC00  }
0x61: {  	[tilespmem:s23], [sflag:$0x4] =	stream.indirect.gather [hbm4b:s5+s14], $0x28, s28, s14, $0xb8;
	[tilespmem:$0x101A8] =	vst v63  }
0x62: {  	_ =	swait.ge [sflag:s24], $0x1400  }
0x63: {  	p0 =	seq.s32 s21, $0x9000;
	[sflag:s24] =	ssyncset.done $0x0  }
.Ltmp2:
0x64: {  	s28 =	sadd.s32 $0x2B00, s22;
	[sflag:s24] =	ssyncadd.s32 $0xFFFFEC00;
	(pc) =	sbr.rel @p0 .LBB2_4-.Ltmp2, $4  }
0x65: {  	[spmem:s3] =	stream.indirect.scatter.add.bf16 [tilespmem:s19], [sflag:$0x7], $0x28, s28, s14, $0xb8;
	[tilespmem:$0x101A8] =	vst v63  }
0x66: {  	_ =	swait.ge [sflag:s26], $0x1400  }
0x67: {  	[sflag:s26] =	ssyncset.done $0x0  }
0x68: {  	s25 =	sadd.s32 $0x2B80, s22;
	[sflag:s26] =	ssyncadd.s32 $0xFFFFEC00  }
0x69: {  	s28 =	sadd.s32 $0x400, s22  }
0x6a: {  	[tilespmem:s15], [sflag:$0x1] =	stream.indirect.gather [hbm4b:s5+s14], $0x28, s28, s14, $0xb8;
	[tilespmem:$0x101A8] =	vst v63  }
0x6b: {  	_ =	swait.ge [sflag:s29], $0x1400  }
0x6c: {  	[sflag:s29] =	ssyncset.done $0x0  }
0x6d: {  	[sflag:s29] =	ssyncadd.s32 $0xFFFFEC00  }
0x6e: {  	[spmem:s3] =	stream.indirect.scatter.add.bf16 [tilespmem:s23], [sflag:$0x8], $0x28, s25, s14, $0xb8;
	[tilespmem:$0x101A8] =	vst v63  }
.Ltmp3:
0x6f: {  	_ = 	snop;
	(pc) =	sbr.rel .LBB2_2-.Ltmp3, $4  }
0x70: {  	_ =	swait.ge [sflag:s31], $0x1400  }
0x71: {  	[sflag:s31] =	ssyncset.done $0x0  }
0x72: {  	s21 =	sadd.s32 $0x800, s21;
	s28 =	sadd.s32 $0x480, s22;
	[sflag:s31] =	ssyncadd.s32 $0xFFFFEC00  }
0x73: {  	[tilespmem:s16], [sflag:$0x2] =	stream.indirect.gather [hbm4b:s5+s14], $0x28, s28, s14, $0xb8;
	[tilespmem:$0x101A8] =	vst v63  }
.LBB2_5:
0x74: {  	_ =	sfence.sel $0x180000  }
0x75: {  	[bflag:$0x0] =	sbarrier.arrive $0xFFFF  }
0x76: {  	_ =	strace $0x90000047  }
0x77: {  	s0 =	stileid.u32;
	[bflag:$0x2] =	sbarrier.arrive $0xFFFF  }
0x78: {  	p0 =	sne.s32 s0, $0x0;
	s0 =	rddreg [dreg:$0x3]  }
0x79: {  	s0 =	sadd.s32 @!p0 $0x100000, s0  }
0x7a: {  	[sflag:s0] =	ssyncadd.tile.s32 @!p0 $0x1;
	_ =	shalt  }
.Lfunc_end2:
_tile_overlayer_lowered:
.L_overlay_start_2:
0x7b: {  	(tag) =	ssettag $0x2  }
0x7c: {  	s0 =	rddreg [dreg:$0x0];
	s2 =	stileid.u32  }
0x7d: {  	s1 =	rddreg [dreg:$0x1];
	p0 =	sne.s32 s2, $0x0  }
0x7e: {  	s3 =	rddreg [dreg:$0x2];
	[bflag:$0x3] =	sbarrier.arrive $0xFFFF;
	s2 =	simm.s32 @!p0 $0x1C09  }
0x7f: {  	[timem:s3], [sflag:s2] =	dma.local @!p0 [hbm:s0], s1  }
0x80: {  	s0 =	simm.s32 @!p0 $0x9  }
0x81: {  	_ =	swait.ge @!p0 [sflag:s0], s1  }
0x82: {  	s1 =	ssub.s32 @!p0 $0x0, s1;
	[sflag:s0] =	ssyncset.done @!p0 $0x0  }
0x83: {  	[sflag:s0] =	ssyncadd.s32 @!p0 s1  }
0x84: {  	[bflag:$0x3] =	sbarrier.arrive $0xFFFF  }
0x85: {  	_ =	shalt  }

// kernel: kernel.9.cloned.1.call-start
scs
__scs_entry_jumppad:
0x0: {  	(pc) =	sbr.rel $0x88, $3  }
0x1: {  	(tag) =	ssettag $0x0;
	lr =	simm.s32 $0x1  }
0x2: {  	[smem:$0x3F9B] =	sst lr;
	_ =	strace $0xD0000000  }
0x3: {  	_ = 	snop  }
0x4: {  	_ = 	snop  }
0x5: {  	_ = 	snop  }
0x6: {  	_ = 	snop  }
0x7: {  	_ = 	snop  }
__scs_overlays_trampoline_lowered:
0x8: {  	[smem:$0x3FAA] =	sst s0  }
0x9: {  	[smem:$0x3FAB] =	sst s1  }
0xa: {  	[smem:$0x3FAC] =	sst s2  }
0xb: {  	[smem:$0x3FAD] =	sst s3  }
0xc: {  	[smem:$0x3FAE] =	sst s4  }
0xd: {  	[smem:$0x3FAF] =	sst s5  }
0xe: {  	[smem:$0x3FB0] =	sst s6  }
0xf: {  	[smem:$0x3FB1] =	sst s7  }
0x10: {  	[smem:$0x3FB2] =	sst s8  }
0x11: {  	[smem:$0x3FB3] =	sst s9;
	s0 =	simm.s32 @!p0 $0x0  }
0x12: {  	s1 =	sld [smem:$0x3F99];
	s0 =	simm.s32 @p0 $0x1  }
0x13: {  	[smem:$0x3FB4] =	sst s0;
	s0 =	simm.s32 @!p1 $0x0  }
0x14: {  	s2 =	sld [smem:$0x3F98];
	s0 =	simm.s32 @p1 $0x1  }
0x15: {  	[smem:$0x3FB5] =	sst s0;
	s0 =	simm.s32 @!p2 $0x0  }
0x16: {  	s3 =	sld [smem:$0x3FDB];
	s0 =	simm.s32 @p2 $0x1  }
0x17: {  	s4 =	simm.s32 $0x1BF5;
	[smem:$0x3FB7] =	sst s0  }
0x18: {  	s0 =	sld [smem:$0x3F9A];
	_ =	swait.ge [sflag:s4], $0x0  }
0x19: {  	s7 =	sld [smem:$0x3F9B]  }
0x1a: {  	s8 =	sadd.s32 $0xFFFFE003, lr  }
0x1b: {  	s9 =	sadd.s32 $0xFFFFFEF7, lr;
	s5 =	simm.s32 $0xFFFFFFFF;
	p2 =	slt.u32 s8, $0xFFFFF086  }
0x1c: {  	p1 =	slt.u32 s9, $0xF7A;
	s5 =	simm.s32 @!p2 $0x0  }
0x1d: {  	s5 =	simm.s32 @p1 $0x1;
	p0 =	seq.s32 s7, s2  }
0x1e: {  	s7 =	smul.u32 @!p0 $0xF7A, s2;
	p2 =	seq.s32 @!p0 s5, $0x0  }
0x1f: {  	s9 =	smul.u32 $0xF7A, s1;
	s8 =	simm.s32 @!p0 $0x1BF5;
	p2 =	por !p2, p0  }
0x20: {  	[sflag:s8] =	ssyncset.s32 @!p0 $0xFFFFF086;
	s6 =	sadd.s32 @!p0 s3, s7;
	s7 =	simm.s32 @!p0 $0x108  }
0x21: {  	s3 =	sadd.s32 s3, s9;
	s6 =	sadd.s32 @!p0 $0x88, s6;
	s7 =	simm.s32 @p2 $0x1082  }
0x22: {  	[simem:s7], [sflag:s8] =	dma.local @!p0 [hbm:s6], $0xF7A  }
0x23: {  	s9 =	sor.u32 $0xD0000000, s2;
	s6 =	simm.s32 $0x108;
	_ =	swait.ge @!p0 [sflag:s8], $0x0  }
0x24: {  	s3 =	sadd.s32 $0x88, s3;
	s6 =	simm.s32 @!p1 $0x1082;
	[sflag:s4] =	ssyncset.s32 $0xFFFFF086  }
0x25: {  	[simem:s6], [sflag:s4] =	dma.local [hbm:s3], $0xF7A  }
0x26: {  	[smem:$0x3F9B] =	sst s1;
	(tag) =	ssettag s2;
	_ =	strace s9  }
0x27: {  	s1 =	sld [smem:$0x3FAB]  }
0x28: {  	s2 =	sld [smem:$0x3FAC]  }
0x29: {  	s4 =	sld [smem:$0x3FAE]  }
0x2a: {  	p0 =	seq.s32 s5, $0x0;
	s5 =	sld [smem:$0x3FAF]  }
0x2b: {  	s6 =	sld [smem:$0x3FB0]  }
0x2c: {  	s7 =	sld [smem:$0x3FB1]  }
0x2d: {  	s3 =	simm.s32 $0x108;
	s8 =	sld [smem:$0x3FB2]  }
0x2e: {  	s3 =	simm.s32 @!p0 $0x1082;
	s9 =	sld [smem:$0x3FB3]  }
0x2f: {  	lr =	sadd.s32 s0, s3;
	s0 =	sld [smem:$0x3FAA]  }
0x30: {  	s3 =	sld [smem:$0x3FAD]  }
0x31: {  	[smem:$0x3FB6] =	sst s10  }
0x32: {  	s10 =	sld [smem:$0x3FB4];
	_ =	sdelay $0x3  }
0x33: {  	p0 =	seq.s32 s10, $0x1;
	s10 =	sld [smem:$0x3FB6];
	_ =	sdelay $0x3  }
0x34: {  	[smem:$0x3FB6] =	sst s10  }
0x35: {  	s10 =	sld [smem:$0x3FB5];
	_ =	sdelay $0x3  }
0x36: {  	p1 =	seq.s32 s10, $0x1;
	s10 =	sld [smem:$0x3FB6];
	_ =	sdelay $0x3  }
0x37: {  	[smem:$0x3FB6] =	sst s10  }
0x38: {  	s10 =	sld [smem:$0x3FB7]  }
0x39: {  	_ = 	snop;
	(pc) =	sbr.ind lr, $3  }
0x3a: {  	_ = 	snop  }
0x3b: {  	_ = 	snop  }
0x3c: {  	p2 =	seq.s32 s10, $0x1;
	s10 =	sld [smem:$0x3FB6]  }
0x3d: {  	_ =	shalt  }
0x3e: {  	_ =	shalt  }
0x3f: {  	_ =	shalt  }
0x40: {  	_ =	shalt  }
0x41: {  	_ =	shalt  }
0x42: {  	_ =	shalt  }
0x43: {  	_ =	shalt  }
0x44: {  	_ =	shalt  }
0x45: {  	_ =	shalt  }
0x46: {  	_ =	shalt  }
0x47: {  	_ =	shalt  }
0x48: {  	_ =	shalt  }
0x49: {  	_ =	shalt  }
0x4a: {  	_ =	shalt  }
0x4b: {  	_ =	shalt  }
0x4c: {  	_ =	shalt  }
0x4d: {  	_ =	shalt  }
0x4e: {  	_ =	shalt  }
0x4f: {  	_ =	shalt  }
0x50: {  	_ =	shalt  }
0x51: {  	_ =	shalt  }
0x52: {  	_ =	shalt  }
0x53: {  	_ =	shalt  }
0x54: {  	_ =	shalt  }
0x55: {  	_ =	shalt  }
0x56: {  	_ =	shalt  }
0x57: {  	_ =	shalt  }
0x58: {  	_ =	shalt  }
0x59: {  	_ =	shalt  }
0x5a: {  	_ =	shalt  }
0x5b: {  	_ =	shalt  }
0x5c: {  	_ =	shalt  }
0x5d: {  	_ =	shalt  }
0x5e: {  	_ =	shalt  }
0x5f: {  	_ =	shalt  }
0x60: {  	_ =	shalt  }
0x61: {  	_ =	shalt  }
0x62: {  	_ =	shalt  }
0x63: {  	_ =	shalt  }
0x64: {  	_ =	shalt  }
0x65: {  	_ =	shalt  }
0x66: {  	_ =	shalt  }
0x67: {  	_ =	shalt  }
0x68: {  	_ =	shalt  }
0x69: {  	_ =	shalt  }
0x6a: {  	_ =	shalt  }
0x6b: {  	_ =	shalt  }
0x6c: {  	_ =	shalt  }
0x6d: {  	_ =	shalt  }
0x6e: {  	_ =	shalt  }
0x6f: {  	_ =	shalt  }
0x70: {  	_ =	shalt  }
0x71: {  	_ =	shalt  }
0x72: {  	_ =	shalt  }
0x73: {  	_ =	shalt  }
0x74: {  	_ =	shalt  }
0x75: {  	_ =	shalt  }
0x76: {  	_ =	shalt  }
0x77: {  	_ =	shalt  }
0x78: {  	_ =	shalt  }
0x79: {  	_ =	shalt  }
0x7a: {  	_ =	shalt  }
0x7b: {  	_ =	shalt  }
0x7c: {  	_ =	shalt  }
0x7d: {  	_ =	shalt  }
0x7e: {  	_ =	shalt  }
0x7f: {  	_ =	shalt  }
0x80: {  	_ =	shalt  }
0x81: {  	_ =	shalt  }
0x82: {  	_ =	shalt  }
0x83: {  	_ =	shalt  }
0x84: {  	_ =	shalt  }
0x85: {  	_ =	shalt  }
0x86: {  	_ =	shalt  }
0x87: {  	_ =	shalt  }
.Lfunc_end0:
.L_simem_size_0:
called_computation.1_lowered:
.L_overlay_start_0:
0x88: {  	s2 =	sld [smem:$0x3FD9]  }
0x89: {  	s3 =	sld [smem:$0x3FFE];
	_ =	sdelay $0x1  }
0x8a: {  	s1 =	srdreg.scid  }
0x8b: {  	s0 =	sand.u32 $0x1, s1  }
0x8c: {  	s17 =	sshll.u32 s0, $0xA;
	s2 =	sadd.s32 s3, s2  }
0x8d: {  	s2 =	sadd.s32 s2, s17  }
0x8e: {  	[smem:$0x3FC2] =	sst s2  }
0x8f: {  	_ = 	snop  }
0x90: {  	s2 =	sld [smem:$0x3FD0];
	(tm) =	ssettm $0x1  }
0x91: {  	s18 =	sld [smem:$0x3FFB];
	_ =	sdelay $0x3  }
0x92: {  	_ =	strace s18  }
0x93: {  	s3 =	sld [smem:$0x3FFC];
	_ =	sdelay $0x3  }
0x94: {  	_ =	strace s3  }
0x95: {  	s3 =	sld [smem:$0x3FFD];
	_ =	sdelay $0x3  }
0x96: {  	_ =	strace s3  }
0x97: {  	_ =	strace $0x8FFFFFFF  }
0x98: {  	s19 =	sld [smem:$0x3FDB];
	_ =	sdelay $0x1  }
0x99: {  	s4 =	simm.s32 $_scs_section_size  }
0x9a: {  	s5 =	simm.s32 $_size__tile_overlayer_lowered;
	s6 =	simm.s32 $_tile_overlayer_lowered  }
0x9b: {  	s22 =	simm.s32 $0x1BFF;
	s21 =	sshll.u32 s6, $0x1;
	s3 =	sadd.s32 s4, s19  }
0x9c: {  	s7 =	simm.s32 $0x0;
	s20 =	sshll.u32 s5, $0x1;
	s5 =	sadd.s32 s21, s3  }
0x9d: {  	[timem:s7], [sflag:s22] =	dma.local [hbm:s5], s20  }
0x9e: {  	_ =	swait.ge [sflag:s22], s20  }
0x9f: {  	s4 =	ssub.s32 $0x0, s20;
	[sflag:s22] =	ssyncset.done $0x0  }
0xa0: {  	[sflag:s22] =	ssyncadd.s32 s4;
	_ =	sdelay $0x1  }
0xa1: {  	s23 =	simm.s32 $0x1B8B  }
0xa2: {  	_ =	swait.ge [sflag:s23], $0x1  }
0xa3: {  	[sflag:s23] =	ssyncset.done $0x0  }
0xa4: {  	s25 =	simm.s32 $0x1B8E;
	s24 =	sld [smem:$0x3FFE];
	[sflag:s23] =	ssyncadd.s32 $0xFFFFFFFF  }
0xa5: {  	s26 =	simm.s32 $execute0_lowered;
	[smem:$0x3FD2] =	sst s25  }
0xa6: {  	s5 =	sshll.u32 s26, $0x1;
	_ =	strace $0x80000049;
	[dreg:$0x1] =	wrdreg $0xFFFFFFFF  }
0xa7: {  	s28 =	simm.s32 $_size_execute0_lowered;
	s3 =	sadd.s32 s3, s5;
	[dreg:$0x0] =	wrdreg $0x0  }
0xa8: {  	s5 =	sshll.u32 s28, $0x1;
	[dreg:$0x2] =	wrdreg s3  }
0xa9: {  	[dreg:$0x3] =	wrdreg s5  }
0xaa: {  	[dreg:$0x4] =	wrdreg $0xC0  }
0xab: {  	_ =	task [dreg:s7], $0x5FFFF  }
0xac: {  	[dreg:$0x1] =	wrdreg $0xFFFFFFFF  }
0xad: {  	[dreg:$0x0] =	wrdreg $0x60  }
0xae: {  	[dreg:$0x2] =	wrdreg s24  }
0xaf: {  	[dreg:$0x3] =	wrdreg s2  }
0xb0: {  	[dreg:$0x4] =	wrdreg $0x38000  }
0xb1: {  	[dreg:$0x5] =	wrdreg $0x9  }
0xb2: {  	_ =	task.clear_ibuf [dreg:s7], $0x6FFFF;
	_ =	strace $0x90000049  }
0xb3: {  	s29 =	simm.s32 $0x9;
	_ =	strace $0x8000004B  }
0xb4: {  	_ =	swait.ge [sflag:s29], $0x1  }
0xb5: {  	[sflag:s29] =	ssyncadd.s32 $0xFFFFFFFF  }
0xb6: {  	_ =	strace $0x9000004B  }
0xb7: {  	_ =	sfence  }
0xb8: {  	s30 =	sld [smem:$0x0];
	_ =	sdelay $0x2  }
0xb9: {  	s31 =	sshll.u32 s1, $0xD;
	s1 =	sshrl.u32 s1, $0x2  }
0xba: {  	s3 =	sand.u32 $0x4000, s31;
	s1 =	sadd.s32 s1, s30  }
0xbb: {  	s0 =	sor.u32 s3, s0;
	s1 =	sshll.u32 s1, $0x11  }
0xbc: {  	s0 =	sor.u32 s1, s0  }
0xbd: {  	s0 =	sadd.s32 $0x8F2B, s0  }
0xbe: {  	[sflag:s0] =	ssyncadd.remote.s32 $0x1  }
0xbf: {  	_ =	sfence.sel $0xFFFF  }
0xc0: {  	[dreg:$0x0] =	wrdreg $0xFFFFFFFF;
	(pc) =	sbr.abs _section_cstart, $3  }
0xc1: {  	[dreg:$0x1] =	wrdreg $0xFFFFFFFF  }
0xc2: {  	_ =	task.clear_ibuf [dreg:s7], $0x2FFFF;
	_ =	strace $0x9FFFFFFF  }
0xc3: {  	(tm) =	ssettm $0x7FFFFFFF  }
tec
execute0_lowered:
.L_overlay_start_1:
0x0: {  	(tag) =	ssettag $0x1  }
0x1: {  	s0 =	rddreg [dreg:$0x0];
	s1 =	srdreg.scid  }
0x2: {  	s9 =	stileid.u32;
	s3 =	rddreg [dreg:$0x2]  }
0x3: {  	s4 =	simm.s32 $0x0;
	s12 =	simm.s32 $0x9;
	s13 =	simm.s32 $0x1400  }
0x4: {  	s14 =	simm.s32 $0x80;
	s15 =	simm.s32 $0x2800;
	s16 =	simm.s32 $0x2C00  }
0x5: {  	s17 =	simm.s32 $0x1;
	s19 =	simm.s32 $0x3000;
	s20 =	simm.s32 $0x2  }
0x6: {  	s23 =	simm.s32 $0x3400;
	s24 =	simm.s32 $0x3;
	s29 =	simm.s32 $0x4  }
0x7: {  	s30 =	simm.s32 $0x1580;
	s31 =	simm.s32 $0x6;
	s6 =	smul.u32 $0x28, s9  }
0x8: {  	s18 =	simm.s32 $0x0;
	s1 =	sand.u32 $0x1, s1;
	s7 =	smul.u32 $0x1388, s9  }
0x9: {  	[smem:$0x7FF] =	sst s4;
	s5 =	sadd.s32 $0xB000, s0;
	s2 =	smul.u32 $0x280, s1  }
0xa: {  	s28 =	sshll.u32 s9, $0x6;
	s8 =	smul.u32 $0x13880, s1;
	s1 =	ssub.s32 $0x2, s1  }
0xb: {  	_ =	strace $0x8000004A;
	s26 =	sshrl.u32 s1, $0x1;
	s11 =	sadd.s32 s7, s3  }
0xc: {  	s2 =	sadd.s32 s6, s2;
	s25 =	sadd.s32 s7, s8;
	s1 =	ssub.s32 s1, s26  }
.Ltmp0:
0xd: {  	s11 =	sshrl.u32 s11, $0x3;
	s26 =	simm.s32 $0x5;
	(pc) =	sbr.rel .LBB2_1-.Ltmp0, $4  }
0xe: {  	s2 =	sshll.u32 s2, $0x4;
	s6 =	sshrl.u32 s25, $0x3;
	s10 =	smax.u32 s1, $0x1  }
0xf: {  	s1 =	simm.s32 $0x280;
	s2 =	sadd.s32 s2, s0;
	s0 =	sadd.s32 s6, s0  }
0x10: {  	s6 =	sor.u32 $0x1C09, s28;
	s7 =	sadd.s32 $0x1000, s2;
	s8 =	sadd.s32 $0x6000, s2  }
0x11: {  	s9 =	sadd.s32 $0xD800, s0;
	s0 =	simm.s32 $0x7;
	s2 =	simm.s32 $0x8  }
.LBB2_4:
0x12: {  	_ =	swait.ge [sflag:s29], $0x400  }
0x13: {  	[sflag:s29] =	ssyncset.done $0x0  }
0x14: {  	[sflag:s29] =	ssyncadd.s32 $0xFFFFFC00  }
0x15: {  	[spmem:s3] =	stream.indirect.scatter.add.f32 [tilespmem:s23], [sflag:$0x8], $0x8, s25, s14, $0xb8;
	[tilespmem:$0x4B88] =	vst v63  }
0x16: {  	_ =	swait.ge [sflag:s31], $0x400  }
0x17: {  	[sflag:s31] =	ssyncset.done $0x0  }
0x18: {  	[sflag:s31] =	ssyncadd.s32 $0xFFFFFC00  }
0x19: {  	_ =	swait.ge [sflag:s0], $0x400  }
0x1a: {  	[sflag:s0] =	ssyncset.done $0x0  }
0x1b: {  	[sflag:s0] =	ssyncadd.s32 $0xFFFFFC00  }
0x1c: {  	_ =	swait.ge [sflag:s2], $0x400  }
0x1d: {  	s18 =	sadd.s32 $0x1, s18;
	[sflag:s2] =	ssyncset.done $0x0  }
0x1e: {  	p0 =	sne.s32 s18, s10;
	[sflag:s2] =	ssyncadd.s32 $0xFFFFFC00  }
.Ltmp1:
0x1f: {  	[bflag:$0x0] =	sbarrier.arrive $0xFFFF;
	(pc) =	sbr.rel @!p0 .LBB2_5-.Ltmp1, $4  }
0x20: {  	[hbm:s9], [sflag:s6] =	dma.local [spmem:s11], $0x271  }
0x21: {  	_ =	swait.ge [sflag:s12], $0x271  }
0x22: {  	[sflag:s12] =	ssyncset.done $0x0  }
0x23: {  	[sflag:s12] =	ssyncadd.s32 $0xFFFFFD8F  }
.LBB2_1:
0x24: {  	s21 =	rddreg [dreg:$0x1]  }
0x25: {  	[spmem:s11], [sflag:s6] =	dma.local [hbm:s21], $0x271  }
0x26: {  	_ =	swait.ge [sflag:s12], $0x271  }
0x27: {  	[sflag:s12] =	ssyncset.done $0x0  }
0x28: {  	[sflag:s12] =	ssyncadd.s32 $0xFFFFFD8F  }
0x29: {  	[tilespmem:s4], [sflag:$0x9] =	stream.linear.gather [hbm4b:s7+s4], $0x1400, $0x38;
	[tilespmem:$0x4B88] =	vst v63  }
0x2a: {  	_ =	swait.ge [sflag:s12], $0x1400  }
0x2b: {  	[sflag:s12] =	ssyncset.done $0x0  }
0x2c: {  	[sflag:s12] =	ssyncadd.s32 $0xFFFFEC00  }
0x2d: {  	[tilespmem:s13], [sflag:$0x9] =	stream.linear.gather [hbm4b:s8+s4], $0x1400, $0x38;
	[tilespmem:$0x4B88] =	vst v63  }
0x2e: {  	_ =	swait.ge [sflag:s12], $0x1400  }
0x2f: {  	[sflag:s12] =	ssyncset.done $0x0  }
0x30: {  	[sflag:s12] =	ssyncadd.s32 $0xFFFFEC00  }
0x31: {  	[bflag:$0x0] =	sbarrier.arrive $0xFFFF  }
0x32: {  	[tilespmem:s15], [sflag:$0x1] =	stream.indirect.gather [hbm4b:s5+s14], $0x8, s4, s14, $0xb8;
	[tilespmem:$0x4B88] =	vst v63  }
0x33: {  	_ = 	snop  }
0x34: {  	[tilespmem:s16], [sflag:$0x2] =	stream.indirect.gather [hbm4b:s5+s14], $0x8, s14, s14, $0xb8;
	[tilespmem:$0x4B88] =	vst v63  }
0x35: {  	_ =	swait.ge [sflag:s17], $0x400  }
0x36: {  	[sflag:s17] =	ssyncset.done $0x0  }
0x37: {  	[sflag:s17] =	ssyncadd.s32 $0xFFFFFC00  }
0x38: {  	[spmem:s3] =	stream.indirect.scatter.add.f32 [tilespmem:s15], [sflag:$0x5], $0x8, s13, s14, $0xb8;
	[tilespmem:$0x4B88] =	vst v63  }
0x39: {  	s25 =	simm.s32 $0x100  }
0x3a: {  	[tilespmem:s19], [sflag:$0x3] =	stream.indirect.gather [hbm4b:s5+s14], $0x8, s25, s14, $0xb8;
	[tilespmem:$0x4B88] =	vst v63  }
0x3b: {  	_ =	swait.ge [sflag:s20], $0x400  }
0x3c: {  	[sflag:s20] =	ssyncset.done $0x0  }
0x3d: {  	s28 =	simm.s32 $0x1480;
	[sflag:s20] =	ssyncadd.s32 $0xFFFFFC00  }
0x3e: {  	[spmem:s3] =	stream.indirect.scatter.add.f32 [tilespmem:s16], [sflag:$0x6], $0x8, s28, s14, $0xb8;
	[tilespmem:$0x4B88] =	vst v63  }
0x3f: {  	s22 =	simm.s32 $0x180  }
0x40: {  	[tilespmem:s23], [sflag:$0x4] =	stream.indirect.gather [hbm4b:s5+s14], $0x8, s22, s14, $0xb8;
	[tilespmem:$0x4B88] =	vst v63  }
0x41: {  	_ =	swait.ge [sflag:s24], $0x400  }
0x42: {  	[sflag:s24] =	ssyncset.done $0x0  }
0x43: {  	s25 =	simm.s32 $0x1500;
	[sflag:s24] =	ssyncadd.s32 $0xFFFFFC00  }
0x44: {  	[spmem:s3] =	stream.indirect.scatter.add.f32 [tilespmem:s19], [sflag:$0x7], $0x8, s25, s14, $0xb8;
	[tilespmem:$0x4B88] =	vst v63  }
0x45: {  	_ =	swait.ge [sflag:s26], $0x400  }
0x46: {  	[sflag:s26] =	ssyncset.done $0x0  }
0x47: {  	s28 =	simm.s32 $0x200;
	[sflag:s26] =	ssyncadd.s32 $0xFFFFFC00  }
0x48: {  	[tilespmem:s15], [sflag:$0x1] =	stream.indirect.gather [hbm4b:s5+s14], $0x8, s28, s14, $0xb8;
	[tilespmem:$0x4B88] =	vst v63  }
0x49: {  	_ =	swait.ge [sflag:s29], $0x400  }
0x4a: {  	[sflag:s29] =	ssyncset.done $0x0  }
0x4b: {  	[sflag:s29] =	ssyncadd.s32 $0xFFFFFC00  }
0x4c: {  	[spmem:s3] =	stream.indirect.scatter.add.f32 [tilespmem:s23], [sflag:$0x8], $0x8, s30, s14, $0xb8;
	[tilespmem:$0x4B88] =	vst v63  }
0x4d: {  	_ =	swait.ge [sflag:s31], $0x400  }
0x4e: {  	[sflag:s31] =	ssyncset.done $0x0  }
0x4f: {  	s21 =	simm.s32 $0x0;
	[sflag:s31] =	ssyncadd.s32 $0xFFFFFC00  }
0x50: {  	[tilespmem:s16], [sflag:$0x2] =	stream.indirect.gather [hbm4b:s5+s14], $0x8, s1, s14, $0xb8;
	[tilespmem:$0x4B88] =	vst v63  }
.LBB2_2:
0x51: {  	_ =	swait.ge [sflag:s17], $0x400  }
0x52: {  	s22 =	sshra.s32 s21, $0x2;
	[sflag:s17] =	ssyncset.done $0x0  }
0x53: {  	s25 =	sadd.s32 $0x1600, s22;
	[sflag:s17] =	ssyncadd.s32 $0xFFFFFC00  }
0x54: {  	[spmem:s3] =	stream.indirect.scatter.add.f32 [tilespmem:s15], [sflag:$0x5], $0x8, s25, s14, $0xb8;
	[tilespmem:$0x4B88] =	vst v63  }
0x55: {  	_ =	swait.ge [sflag:s0], $0x400  }
0x56: {  	[sflag:s0] =	ssyncset.done $0x0  }
0x57: {  	s28 =	sadd.s32 $0x300, s22;
	[sflag:s0] =	ssyncadd.s32 $0xFFFFFC00  }
0x58: {  	[tilespmem:s19], [sflag:$0x3] =	stream.indirect.gather [hbm4b:s5+s14], $0x8, s28, s14, $0xb8;
	[tilespmem:$0x4B88] =	vst v63  }
0x59: {  	_ =	swait.ge [sflag:s20], $0x400  }
0x5a: {  	[sflag:s20] =	ssyncset.done $0x0  }
0x5b: {  	s28 =	sadd.s32 $0x1680, s22;
	[sflag:s20] =	ssyncadd.s32 $0xFFFFFC00  }
0x5c: {  	[spmem:s3] =	stream.indirect.scatter.add.f32 [tilespmem:s16], [sflag:$0x6], $0x8, s28, s14, $0xb8;
	[tilespmem:$0x4B88] =	vst v63  }
0x5d: {  	_ =	swait.ge [sflag:s2], $0x400  }
0x5e: {  	[sflag:s2] =	ssyncset.done $0x0  }
0x5f: {  	s28 =	sadd.s32 $0x380, s22;
	[sflag:s2] =	ssyncadd.s32 $0xFFFFFC00  }
0x60: {  	[tilespmem:s23], [sflag:$0x4] =	stream.indirect.gather [hbm4b:s5+s14], $0x8, s28, s14, $0xb8;
	[tilespmem:$0x4B88] =	vst v63  }
0x61: {  	_ =	swait.ge [sflag:s24], $0x400  }
0x62: {  	p0 =	seq.s32 s21, $0x4000;
	[sflag:s24] =	ssyncset.done $0x0  }
.Ltmp2:
0x63: {  	s28 =	sadd.s32 $0x1700, s22;
	[sflag:s24] =	ssyncadd.s32 $0xFFFFFC00;
	(pc) =	sbr.rel @p0 .LBB2_4-.Ltmp2, $4  }
0x64: {  	[spmem:s3] =	stream.indirect.scatter.add.f32 [tilespmem:s19], [sflag:$0x7], $0x8, s28, s14, $0xb8;
	[tilespmem:$0x4B88] =	vst v63  }
0x65: {  	_ =	swait.ge [sflag:s26], $0x400  }
0x66: {  	[sflag:s26] =	ssyncset.done $0x0  }
0x67: {  	s25 =	sadd.s32 $0x1780, s22;
	[sflag:s26] =	ssyncadd.s32 $0xFFFFFC00  }
0x68: {  	s28 =	sadd.s32 $0x400, s22  }
0x69: {  	[tilespmem:s15], [sflag:$0x1] =	stream.indirect.gather [hbm4b:s5+s14], $0x8, s28, s14, $0xb8;
	[tilespmem:$0x4B88] =	vst v63  }
0x6a: {  	_ =	swait.ge [sflag:s29], $0x400  }
0x6b: {  	[sflag:s29] =	ssyncset.done $0x0  }
0x6c: {  	[sflag:s29] =	ssyncadd.s32 $0xFFFFFC00  }
0x6d: {  	[spmem:s3] =	stream.indirect.scatter.add.f32 [tilespmem:s23], [sflag:$0x8], $0x8, s25, s14, $0xb8;
	[tilespmem:$0x4B88] =	vst v63  }
.Ltmp3:
0x6e: {  	_ = 	snop;
	(pc) =	sbr.rel .LBB2_2-.Ltmp3, $4  }
0x6f: {  	_ =	swait.ge [sflag:s31], $0x400  }
0x70: {  	[sflag:s31] =	ssyncset.done $0x0  }
0x71: {  	s21 =	sadd.s32 $0x800, s21;
	s28 =	sadd.s32 $0x480, s22;
	[sflag:s31] =	ssyncadd.s32 $0xFFFFFC00  }
0x72: {  	[tilespmem:s16], [sflag:$0x2] =	stream.indirect.gather [hbm4b:s5+s14], $0x8, s28, s14, $0xb8;
	[tilespmem:$0x4B88] =	vst v63  }
.LBB2_5:
0x73: {  	_ =	sfence.sel $0x180000  }
0x74: {  	[bflag:$0x0] =	sbarrier.arrive $0xFFFF  }
0x75: {  	_ =	strace $0x9000004A  }
0x76: {  	s0 =	stileid.u32;
	[bflag:$0x2] =	sbarrier.arrive $0xFFFF  }
0x77: {  	p0 =	sne.s32 s0, $0x0;
	s0 =	rddreg [dreg:$0x3]  }
0x78: {  	s0 =	sadd.s32 @!p0 $0x100000, s0  }
0x79: {  	[sflag:s0] =	ssyncadd.tile.s32 @!p0 $0x1;
	_ =	shalt  }
.Lfunc_end2:
_tile_overlayer_lowered:
.L_overlay_start_2:
0x7a: {  	(tag) =	ssettag $0x2  }
0x7b: {  	s0 =	rddreg [dreg:$0x0];
	s2 =	stileid.u32  }
0x7c: {  	s1 =	rddreg [dreg:$0x1];
	p0 =	sne.s32 s2, $0x0  }
0x7d: {  	s3 =	rddreg [dreg:$0x2];
	[bflag:$0x3] =	sbarrier.arrive $0xFFFF;
	s2 =	simm.s32 @!p0 $0x1C09  }
0x7e: {  	[timem:s3], [sflag:s2] =	dma.local @!p0 [hbm:s0], s1  }
0x7f: {  	s0 =	simm.s32 @!p0 $0x9  }
0x80: {  	_ =	swait.ge @!p0 [sflag:s0], s1  }
0x81: {  	s1 =	ssub.s32 @!p0 $0x0, s1;
	[sflag:s0] =	ssyncset.done @!p0 $0x0  }
0x82: {  	[sflag:s0] =	ssyncadd.s32 @!p0 s1  }
0x83: {  	[bflag:$0x3] =	sbarrier.arrive $0xFFFF  }
0x84: {  	_ =	shalt  }

</sc_bundles>
